<compile_context>
chip_gen: v7x
topology: tpu7x:2x2x1
jax: 0.10.2.dev20260603
libtpu: 0.0.44.dev20260713+nightly
codegen_flags: <defaults>
</compile_context>

<pallas_src>
import functools

import jax
import jax.numpy as jnp
from jax import lax
from jax.experimental import pallas as pl
from jax.experimental.pallas import tpu as pltpu
from jax.experimental.pallas import tpu_sc as plsc

_CHUNK = 80


def _prep_body(sent_ref, idx_ref):
    idx_ref[...] = sent_ref[...].T


def _make_sc_gather(n_rows, width, n_workers):
    rows_per_w = n_rows // n_workers
    n_chunks = rows_per_w // _CHUNK
    assert rows_per_w % _CHUNK == 0

    mesh = plsc.VectorSubcoreMesh(core_axis_name="c", subcore_axis_name="s")

    @functools.partial(
        pl.kernel,
        mesh=mesh,
        out_type=jax.ShapeDtypeStruct((n_rows, width), jnp.float32),
        scratch_types=[
            pltpu.VMEM((rows_per_w,), jnp.int32),
            pltpu.VMEM((2, _CHUNK, width), jnp.float32),
            pltpu.SemaphoreType.DMA,
        ],
        compiler_params=pltpu.CompilerParams(use_tc_tiling_on_sc=False),
    )
    def sc_gather(idx_hbm, table_hbm, out_hbm, idx_v, rows_v, sem):
        nc = 2
        wid = lax.axis_index("s") * nc + lax.axis_index("c")
        base = wid * rows_per_w
        pltpu.sync_copy(idx_hbm.at[pl.ds(base, rows_per_w)], idx_v)

        def gather(j, buf):
            return pltpu.async_copy(
                table_hbm.at[idx_v.at[pl.ds(j * _CHUNK, _CHUNK)]],
                rows_v.at[buf],
                sem,
            )

        cp = gather(0, 0)
        for j in range(n_chunks):
            nxt = gather(j + 1, (j + 1) % 2) if j + 1 < n_chunks else None
            cp.wait()
            pltpu.sync_copy(
                rows_v.at[j % 2], out_hbm.at[pl.ds(base + j * _CHUNK, _CHUNK)]
            )
            cp = nxt

    return sc_gather


def _make_rnn_body(inner, seq, rows_t):
    last_g, last_s = (seq - 1) // inner, (seq - 1) % inner

    def _rnn_steps(x_ref, wih_ref, whh_ref, bias_ref, out_ref, hout_ref, h_ref):
        g = pl.program_id(0)

        @pl.when(g == 0)
        def _():
            h_ref[...] = jnp.zeros_like(h_ref)

        h = h_ref[...]
        for s in range(inner):
            x2 = x_ref[pl.ds(s * rows_t, rows_t)]
            acc = jnp.dot(x2, wih_ref[...], preferred_element_type=jnp.float32)
            acc += jnp.dot(h, whh_ref[...], preferred_element_type=jnp.float32)
            acc += bias_ref[...]
            h = jnp.tanh(acc)
            out_ref[pl.ds(s * rows_t, rows_t)] = h
            if s == last_s:
                h_keep = h

        @pl.when(g == last_g)
        def _():
            hout_ref[...] = h_keep

        h_ref[...] = h

    return _rnn_steps


def _blockdiag(w):
    n = w.shape[0]
    z = jnp.zeros((n, n), w.dtype)
    return jnp.block([[w, z], [z, w]])


def kernel(sentences, emb_table, W_ih, W_hh, b_ih, b_hh):
    batch, seq = sentences.shape
    vocab, emb = emb_table.shape
    hid = W_hh.shape[0]
    n_rows = batch * seq
    rows_t = batch // 2

    sent = sentences.astype(jnp.int32)

    idx_tm = pl.pallas_call(
        _prep_body,
        out_shape=jax.ShapeDtypeStruct((seq, batch), jnp.int32),
    )(sent)
    idx = idx_tm.reshape(n_rows)

    xg = _make_sc_gather(n_rows, emb, 32)(idx, emb_table)
    x2 = xg.reshape(n_rows // 2, 2 * emb)

    wih2 = _blockdiag(W_ih.T)
    whh2 = _blockdiag(W_hh.T)
    bias = b_ih + b_hh
    bias2 = jnp.concatenate([bias, bias]).reshape(1, 2 * hid)

    inner = 8
    n_blocks = (seq + inner - 1) // inner
    out2, h_last2 = pl.pallas_call(
        _make_rnn_body(inner, seq, rows_t),
        grid=(n_blocks,),
        in_specs=[
            pl.BlockSpec((inner * rows_t, 2 * emb), lambda g: (g, 0)),
            pl.BlockSpec((2 * emb, 2 * hid), lambda g: (0, 0)),
            pl.BlockSpec((2 * hid, 2 * hid), lambda g: (0, 0)),
            pl.BlockSpec((1, 2 * hid), lambda g: (0, 0)),
        ],
        out_specs=[
            pl.BlockSpec((inner * rows_t, 2 * hid), lambda g: (g, 0)),
            pl.BlockSpec((rows_t, 2 * hid), lambda g: (0, 0)),
        ],
        out_shape=[
            jax.ShapeDtypeStruct((n_rows // 2, 2 * hid), jnp.float32),
            jax.ShapeDtypeStruct((rows_t, 2 * hid), jnp.float32),
        ],
        scratch_shapes=[pltpu.VMEM((rows_t, 2 * hid), jnp.float32)],
    )(x2, wih2, whh2, bias2)

    final_output = out2.reshape(seq, batch, hid).transpose(1, 0, 2)
    h = h_last2.reshape(batch, hid)[None]
    return final_output, h

# --- scband reference (transcript-rebuilt; emitter-appended) ---
"""Pipeline reference for scband-word-model-16724602651255 (READ-ONLY COPY).

The authoritative reference and input builder live on the scoring server;
editing this copy changes nothing except your own understanding.
"""

import jax, jax.numpy as jnp
import numpy as np

VOCAB = 100000
EMB = 64
HID = 64
B = 1024
L = 50


def setup_inputs(seed: int = 0) -> dict:
    key = jax.random.key(seed)
    ks = jax.random.split(key, 6)
    sentences = jax.random.randint(ks[0], (B, L), 0, VOCAB, dtype=jnp.int64 if jax.config.jax_enable_x64 else jnp.int32)
    emb_table = jax.random.normal(ks[1], (VOCAB, EMB), dtype=jnp.float32) * 0.02
    k = 1.0 / np.sqrt(HID)
    W_ih = jax.random.uniform(ks[2], (HID, EMB), dtype=jnp.float32, minval=-k, maxval=k)
    W_hh = jax.random.uniform(ks[3], (HID, HID), dtype=jnp.float32, minval=-k, maxval=k)
    b_ih = jax.random.uniform(ks[4], (HID,), dtype=jnp.float32, minval=-k, maxval=k)
    b_hh = jax.random.uniform(ks[5], (HID,), dtype=jnp.float32, minval=-k, maxval=k)
    return {"sentences": sentences, "emb_table": emb_table, "W_ih": W_ih, "W_hh": W_hh, "b_ih": b_ih, "b_hh": b_hh}


def reference(sentences, emb_table, W_ih, W_hh, b_ih, b_hh):
    # Embedding lookup (gather)
    x = jnp.take(emb_table, sentences, axis=0)  # [B, L, EMB]
    # Elman RNN with tanh, batch_first, single layer (matches nn.RNN defaults)
    h0 = jnp.zeros((x.shape[0], HID), dtype=x.dtype)

    def step(h_prev, x_t):
        h_new = jnp.tanh(x_t @ W_ih.T + b_ih + h_prev @ W_hh.T + b_hh)
        return h_new, h_new

    x_time_major = jnp.swapaxes(x, 0, 1)  # [L, B, EMB]
    h_last, ys = jax.lax.scan(step, h0, x_time_major)
    final_output = jnp.swapaxes(ys, 0, 1)  # [B, L, HID]
    h = h_last[None, :, :]  # [1, B, HID] like torch nn.RNN hidden state
    return final_output, h

if __name__ == "__main__":
    import jax
    _d = setup_inputs()
    print(jax.jit(kernel)(*tuple(_d.values())))

</pallas_src>

<mosaic_0001>
#map = affine_map<(d0, d1) -> (0)>
#map1 = affine_map<(d0, d1) -> (0, 0)>
module attributes {stable_mosaic.version = 14 : i64} {
  func.func @sc_gather(%arg0: i32, %arg1: i32, %arg2: memref<51200xi32, #tpu.memory_space<hbm>>, %arg3: memref<100000x64xf32, #tpu.memory_space<hbm>>, %arg4: memref<51200x64xf32, #tpu.memory_space<hbm>>, %arg5: memref<1600xi32, #tpu.memory_space<vmem>>, %arg6: memref<2x80x64xf32, #tpu.memory_space<vmem>>, %arg7: memref<!tpu.dma_semaphore, #tpu.memory_space<semaphore_mem>>) attributes {dimension_semantics = [#tpu.dimension_semantics<core_parallel>, #tpu.dimension_semantics<subcore_parallel>], iteration_bounds = array<i64: 2, 16>, scalar_prefetch = 0 : i64, scratch_operands = 3 : i64, tpu.core_type = #tpu.core_type<sc_vector_subcore>, window_params = [{transform_indices = #map}, {transform_indices = #map1}, {transform_indices = #map1}]} {
    %mul3A = arith.constant 2 : i32
    %mul3A_0 = arith.muli %arg1, %mul3A : i32
    %add3A = arith.addi %mul3A_0, %arg0 : i32
    %mul3A_1 = arith.constant 1600 : i32
    %mul3A_2 = arith.muli %add3A, %mul3A_1 : i32
    "tpu.region"() ({
      %run_scoped3A_460 = tpu.sem_alloc : memref<!tpu.dma_semaphore, #tpu.memory_space<semaphore_mem>>
      %dma_start3A_461 = tpu.memref_slice %arg2[%mul3A_2] : memref<51200xi32, #tpu.memory_space<hbm>> -> memref<1600xi32, #tpu.memory_space<hbm>>
      %dma_start3A_462 = tpu.memref_slice %arg2[%mul3A_2] : memref<51200xi32, #tpu.memory_space<hbm>> -> memref<1600xi32, #tpu.memory_space<hbm>>
      tpu.enqueue_dma source(%dma_start3A_462 : memref<1600xi32, #tpu.memory_space<hbm>>) target(%arg5 : memref<1600xi32, #tpu.memory_space<vmem>>) target_semaphore(%run_scoped3A_460 : memref<!tpu.dma_semaphore, #tpu.memory_space<semaphore_mem>>)
      %dma_wait3A_463 = tpu.memref_slice %arg2[%mul3A_2] : memref<51200xi32, #tpu.memory_space<hbm>> -> memref<1600xi32, #tpu.memory_space<hbm>>
      %dma_wait3A_464 = tpu.memref_slice %arg2[%mul3A_2] : memref<51200xi32, #tpu.memory_space<hbm>> -> memref<1600xi32, #tpu.memory_space<hbm>>
      tpu.wait_dma2 semaphore(%run_scoped3A_460 : memref<!tpu.dma_semaphore, #tpu.memory_space<semaphore_mem>>) src(%dma_wait3A_464 : memref<1600xi32, #tpu.memory_space<hbm>>) dst(%arg5 : memref<1600xi32, #tpu.memory_space<vmem>>)
      tpu.yield
    }) : () -> ()
    %dma_start3A = arith.constant 0 : i32
    %dma_start3A_3 = arith.constant 0 : i32
    %dma_start3A_4 = arith.constant 0 : i32
    %dma_start3A_5 = tpu.memref_slice %arg6[%dma_start3A, %dma_start3A_3, %dma_start3A_4] : memref<2x80x64xf32, #tpu.memory_space<vmem>> -> memref<1x80x64xf32, #tpu.memory_space<vmem>>
    %dma_start3A_6 = tpu.memref_squeeze %dma_start3A_5 : memref<1x80x64xf32, #tpu.memory_space<vmem>> -> memref<80x64xf32, #tpu.memory_space<vmem>>
    %dma_start3A_7 = arith.constant 0 : i32
    %dma_start3A_8 = tpu.memref_slice %arg5[%dma_start3A_7] : memref<1600xi32, #tpu.memory_space<vmem>> -> memref<80xi32, #tpu.memory_space<vmem>>
    %dma_start3A_9 = arith.constant 0 : i32
    %dma_start3A_10 = arith.constant 0 : i32
    %dma_start3A_11 = tpu.memref_slice %arg3[%dma_start3A_9, %dma_start3A_10] : memref<100000x64xf32, #tpu.memory_space<hbm>> -> memref<100000x64xf32, #tpu.memory_space<hbm>>
    tpu.enqueue_indirect_dma source(%dma_start3A_11 : memref<100000x64xf32, #tpu.memory_space<hbm>>) target(%dma_start3A_6 : memref<80x64xf32, #tpu.memory_space<vmem>>) offsets(%dma_start3A_8 : memref<80xi32, #tpu.memory_space<vmem>>) semaphore(%arg7 : memref<!tpu.dma_semaphore, #tpu.memory_space<semaphore_mem>>)
    %dma_start3A_12 = arith.constant 1 : i32
    %dma_start3A_13 = arith.constant 0 : i32
    %dma_start3A_14 = arith.constant 0 : i32
    %dma_start3A_15 = tpu.memref_slice %arg6[%dma_start3A_12, %dma_start3A_13, %dma_start3A_14] : memref<2x80x64xf32, #tpu.memory_space<vmem>> -> memref<1x80x64xf32, #tpu.memory_space<vmem>>
    %dma_start3A_16 = tpu.memref_squeeze %dma_start3A_15 : memref<1x80x64xf32, #tpu.memory_space<vmem>> -> memref<80x64xf32, #tpu.memory_space<vmem>>
    %dma_start3A_17 = arith.constant 80 : i32
    %dma_start3A_18 = tpu.memref_slice %arg5[%dma_start3A_17] : memref<1600xi32, #tpu.memory_space<vmem>> -> memref<80xi32, #tpu.memory_space<vmem>>
    %dma_start3A_19 = arith.constant 0 : i32
    %dma_start3A_20 = arith.constant 0 : i32
    %dma_start3A_21 = tpu.memref_slice %arg3[%dma_start3A_19, %dma_start3A_20] : memref<100000x64xf32, #tpu.memory_space<hbm>> -> memref<100000x64xf32, #tpu.memory_space<hbm>>
    tpu.enqueue_indirect_dma source(%dma_start3A_21 : memref<100000x64xf32, #tpu.memory_space<hbm>>) target(%dma_start3A_16 : memref<80x64xf32, #tpu.memory_space<vmem>>) offsets(%dma_start3A_18 : memref<80xi32, #tpu.memory_space<vmem>>) semaphore(%arg7 : memref<!tpu.dma_semaphore, #tpu.memory_space<semaphore_mem>>)
    %dma_wait3A = arith.constant 0 : i32
    %dma_wait3A_22 = arith.constant 0 : i32
    %dma_wait3A_23 = arith.constant 0 : i32
    %dma_wait3A_24 = tpu.memref_slice %arg6[%dma_wait3A, %dma_wait3A_22, %dma_wait3A_23] : memref<2x80x64xf32, #tpu.memory_space<vmem>> -> memref<1x80x64xf32, #tpu.memory_space<vmem>>
    %dma_wait3A_25 = tpu.memref_squeeze %dma_wait3A_24 : memref<1x80x64xf32, #tpu.memory_space<vmem>> -> memref<80x64xf32, #tpu.memory_space<vmem>>
    %dma_wait3A_26 = arith.constant 0 : i32
    %dma_wait3A_27 = tpu.memref_slice %arg5[%dma_wait3A_26] : memref<1600xi32, #tpu.memory_space<vmem>> -> memref<80xi32, #tpu.memory_space<vmem>>
    %dma_wait3A_28 = arith.constant 0 : i32
    %dma_wait3A_29 = arith.constant 0 : i32
    %dma_wait3A_30 = tpu.memref_slice %arg3[%dma_wait3A_28, %dma_wait3A_29] : memref<100000x64xf32, #tpu.memory_space<hbm>> -> memref<100000x64xf32, #tpu.memory_space<hbm>>
    tpu.wait_indirect_dma semaphore(%arg7 : memref<!tpu.dma_semaphore, #tpu.memory_space<semaphore_mem>>) src(%dma_wait3A_30 : memref<100000x64xf32, #tpu.memory_space<hbm>>) dst(%dma_wait3A_25 : memref<80x64xf32, #tpu.memory_space<vmem>>)
    %add3A_31 = arith.constant 0 : i32
    %add3A_32 = arith.addi %mul3A_2, %add3A_31 : i32
    %run_scoped3A = arith.constant 0 : i32
    "tpu.region"() ({
      %run_scoped3A_460 = tpu.sem_alloc : memref<!tpu.dma_semaphore, #tpu.memory_space<semaphore_mem>>
      %dma_start3A_461 = arith.constant 0 : i32
      %dma_start3A_462 = arith.constant 0 : i32
      %dma_start3A_463 = tpu.memref_slice %arg6[%run_scoped3A, %dma_start3A_461, %dma_start3A_462] : memref<2x80x64xf32, #tpu.memory_space<vmem>> -> memref<1x80x64xf32, #tpu.memory_space<vmem>>
      %dma_start3A_464 = tpu.memref_squeeze %dma_start3A_463 : memref<1x80x64xf32, #tpu.memory_space<vmem>> -> memref<80x64xf32, #tpu.memory_space<vmem>>
      %dma_start3A_465 = arith.constant 0 : i32
      %dma_start3A_466 = tpu.memref_slice %arg4[%add3A_32, %dma_start3A_465] : memref<51200x64xf32, #tpu.memory_space<hbm>> -> memref<80x64xf32, #tpu.memory_space<hbm>>
      %dma_start3A_467 = arith.constant 0 : i32
      %dma_start3A_468 = tpu.memref_slice %arg4[%add3A_32, %dma_start3A_467] : memref<51200x64xf32, #tpu.memory_space<hbm>> -> memref<80x64xf32, #tpu.memory_space<hbm>>
      %dma_start3A_469 = arith.constant 0 : i32
      %dma_start3A_470 = arith.constant 0 : i32
      %dma_start3A_471 = tpu.memref_slice %arg6[%run_scoped3A, %dma_start3A_469, %dma_start3A_470] : memref<2x80x64xf32, #tpu.memory_space<vmem>> -> memref<1x80x64xf32, #tpu.memory_space<vmem>>
      %dma_start3A_472 = tpu.memref_squeeze %dma_start3A_471 : memref<1x80x64xf32, #tpu.memory_space<vmem>> -> memref<80x64xf32, #tpu.memory_space<vmem>>
      tpu.enqueue_dma source(%dma_start3A_472 : memref<80x64xf32, #tpu.memory_space<vmem>>) target(%dma_start3A_468 : memref<80x64xf32, #tpu.memory_space<hbm>>) target_semaphore(%run_scoped3A_460 : memref<!tpu.dma_semaphore, #tpu.memory_space<semaphore_mem>>)
      %dma_wait3A_473 = arith.constant 0 : i32
      %dma_wait3A_474 = arith.constant 0 : i32
      %dma_wait3A_475 = tpu.memref_slice %arg6[%run_scoped3A, %dma_wait3A_473, %dma_wait3A_474] : memref<2x80x64xf32, #tpu.memory_space<vmem>> -> memref<1x80x64xf32, #tpu.memory_space<vmem>>
      %dma_wait3A_476 = tpu.memref_squeeze %dma_wait3A_475 : memref<1x80x64xf32, #tpu.memory_space<vmem>> -> memref<80x64xf32, #tpu.memory_space<vmem>>
      %dma_wait3A_477 = arith.constant 0 : i32
      %dma_wait3A_478 = tpu.memref_slice %arg4[%add3A_32, %dma_wait3A_477] : memref<51200x64xf32, #tpu.memory_space<hbm>> -> memref<80x64xf32, #tpu.memory_space<hbm>>
      %dma_wait3A_479 = arith.constant 0 : i32
      %dma_wait3A_480 = tpu.memref_slice %arg4[%add3A_32, %dma_wait3A_479] : memref<51200x64xf32, #tpu.memory_space<hbm>> -> memref<80x64xf32, #tpu.memory_space<hbm>>
      %dma_wait3A_481 = arith.constant 0 : i32
      %dma_wait3A_482 = arith.constant 0 : i32
      %dma_wait3A_483 = tpu.memref_slice %arg6[%run_scoped3A, %dma_wait3A_481, %dma_wait3A_482] : memref<2x80x64xf32, #tpu.memory_space<vmem>> -> memref<1x80x64xf32, #tpu.memory_space<vmem>>
      %dma_wait3A_484 = tpu.memref_squeeze %dma_wait3A_483 : memref<1x80x64xf32, #tpu.memory_space<vmem>> -> memref<80x64xf32, #tpu.memory_space<vmem>>
      tpu.wait_dma2 semaphore(%run_scoped3A_460 : memref<!tpu.dma_semaphore, #tpu.memory_space<semaphore_mem>>) src(%dma_wait3A_484 : memref<80x64xf32, #tpu.memory_space<vmem>>) dst(%dma_wait3A_480 : memref<80x64xf32, #tpu.memory_space<hbm>>)
      tpu.yield
    }) : () -> ()
    %dma_start3A_33 = arith.constant 0 : i32
    %dma_start3A_34 = arith.constant 0 : i32
    %dma_start3A_35 = arith.constant 0 : i32
    %dma_start3A_36 = tpu.memref_slice %arg6[%dma_start3A_33, %dma_start3A_34, %dma_start3A_35] : memref<2x80x64xf32, #tpu.memory_space<vmem>> -> memref<1x80x64xf32, #tpu.memory_space<vmem>>
    %dma_start3A_37 = tpu.memref_squeeze %dma_start3A_36 : memref<1x80x64xf32, #tpu.memory_space<vmem>> -> memref<80x64xf32, #tpu.memory_space<vmem>>
    %dma_start3A_38 = arith.constant 160 : i32
    %dma_start3A_39 = tpu.memref_slice %arg5[%dma_start3A_38] : memref<1600xi32, #tpu.memory_space<vmem>> -> memref<80xi32, #tpu.memory_space<vmem>>
    %dma_start3A_40 = arith.constant 0 : i32
    %dma_start3A_41 = arith.constant 0 : i32
    %dma_start3A_42 = tpu.memref_slice %arg3[%dma_start3A_40, %dma_start3A_41] : memref<100000x64xf32, #tpu.memory_space<hbm>> -> memref<100000x64xf32, #tpu.memory_space<hbm>>
    tpu.enqueue_indirect_dma source(%dma_start3A_42 : memref<100000x64xf32, #tpu.memory_space<hbm>>) target(%dma_start3A_37 : memref<80x64xf32, #tpu.memory_space<vmem>>) offsets(%dma_start3A_39 : memref<80xi32, #tpu.memory_space<vmem>>) semaphore(%arg7 : memref<!tpu.dma_semaphore, #tpu.memory_space<semaphore_mem>>)
    %dma_wait3A_43 = arith.constant 1 : i32
    %dma_wait3A_44 = arith.constant 0 : i32
    %dma_wait3A_45 = arith.constant 0 : i32
    %dma_wait3A_46 = tpu.memref_slice %arg6[%dma_wait3A_43, %dma_wait3A_44, %dma_wait3A_45] : memref<2x80x64xf32, #tpu.memory_space<vmem>> -> memref<1x80x64xf32, #tpu.memory_space<vmem>>
    %dma_wait3A_47 = tpu.memref_squeeze %dma_wait3A_46 : memref<1x80x64xf32, #tpu.memory_space<vmem>> -> memref<80x64xf32, #tpu.memory_space<vmem>>
    %dma_wait3A_48 = arith.constant 80 : i32
    %dma_wait3A_49 = tpu.memref_slice %arg5[%dma_wait3A_48] : memref<1600xi32, #tpu.memory_space<vmem>> -> memref<80xi32, #tpu.memory_space<vmem>>
    %dma_wait3A_50 = arith.constant 0 : i32
    %dma_wait3A_51 = arith.constant 0 : i32
    %dma_wait3A_52 = tpu.memref_slice %arg3[%dma_wait3A_50, %dma_wait3A_51] : memref<100000x64xf32, #tpu.memory_space<hbm>> -> memref<100000x64xf32, #tpu.memory_space<hbm>>
    tpu.wait_indirect_dma semaphore(%arg7 : memref<!tpu.dma_semaphore, #tpu.memory_space<semaphore_mem>>) src(%dma_wait3A_52 : memref<100000x64xf32, #tpu.memory_space<hbm>>) dst(%dma_wait3A_47 : memref<80x64xf32, #tpu.memory_space<vmem>>)
    %add3A_53 = arith.constant 80 : i32
    %add3A_54 = arith.addi %mul3A_2, %add3A_53 : i32
    %run_scoped3A_55 = arith.constant 1 : i32
    "tpu.region"() ({
      %run_scoped3A_460 = tpu.sem_alloc : memref<!tpu.dma_semaphore, #tpu.memory_space<semaphore_mem>>
      %dma_start3A_461 = arith.constant 0 : i32
      %dma_start3A_462 = arith.constant 0 : i32
      %dma_start3A_463 = tpu.memref_slice %arg6[%run_scoped3A_55, %dma_start3A_461, %dma_start3A_462] : memref<2x80x64xf32, #tpu.memory_space<vmem>> -> memref<1x80x64xf32, #tpu.memory_space<vmem>>
      %dma_start3A_464 = tpu.memref_squeeze %dma_start3A_463 : memref<1x80x64xf32, #tpu.memory_space<vmem>> -> memref<80x64xf32, #tpu.memory_space<vmem>>
      %dma_start3A_465 = arith.constant 0 : i32
      %dma_start3A_466 = tpu.memref_slice %arg4[%add3A_54, %dma_start3A_465] : memref<51200x64xf32, #tpu.memory_space<hbm>> -> memref<80x64xf32, #tpu.memory_space<hbm>>
      %dma_start3A_467 = arith.constant 0 : i32
      %dma_start3A_468 = tpu.memref_slice %arg4[%add3A_54, %dma_start3A_467] : memref<51200x64xf32, #tpu.memory_space<hbm>> -> memref<80x64xf32, #tpu.memory_space<hbm>>
      %dma_start3A_469 = arith.constant 0 : i32
      %dma_start3A_470 = arith.constant 0 : i32
      %dma_start3A_471 = tpu.memref_slice %arg6[%run_scoped3A_55, %dma_start3A_469, %dma_start3A_470] : memref<2x80x64xf32, #tpu.memory_space<vmem>> -> memref<1x80x64xf32, #tpu.memory_space<vmem>>
      %dma_start3A_472 = tpu.memref_squeeze %dma_start3A_471 : memref<1x80x64xf32, #tpu.memory_space<vmem>> -> memref<80x64xf32, #tpu.memory_space<vmem>>
      tpu.enqueue_dma source(%dma_start3A_472 : memref<80x64xf32, #tpu.memory_space<vmem>>) target(%dma_start3A_468 : memref<80x64xf32, #tpu.memory_space<hbm>>) target_semaphore(%run_scoped3A_460 : memref<!tpu.dma_semaphore, #tpu.memory_space<semaphore_mem>>)
      %dma_wait3A_473 = arith.constant 0 : i32
      %dma_wait3A_474 = arith.constant 0 : i32
      %dma_wait3A_475 = tpu.memref_slice %arg6[%run_scoped3A_55, %dma_wait3A_473, %dma_wait3A_474] : memref<2x80x64xf32, #tpu.memory_space<vmem>> -> memref<1x80x64xf32, #tpu.memory_space<vmem>>
      %dma_wait3A_476 = tpu.memref_squeeze %dma_wait3A_475 : memref<1x80x64xf32, #tpu.memory_space<vmem>> -> memref<80x64xf32, #tpu.memory_space<vmem>>
      %dma_wait3A_477 = arith.constant 0 : i32
      %dma_wait3A_478 = tpu.memref_slice %arg4[%add3A_54, %dma_wait3A_477] : memref<51200x64xf32, #tpu.memory_space<hbm>> -> memref<80x64xf32, #tpu.memory_space<hbm>>
      %dma_wait3A_479 = arith.constant 0 : i32
      %dma_wait3A_480 = tpu.memref_slice %arg4[%add3A_54, %dma_wait3A_479] : memref<51200x64xf32, #tpu.memory_space<hbm>> -> memref<80x64xf32, #tpu.memory_space<hbm>>
      %dma_wait3A_481 = arith.constant 0 : i32
      %dma_wait3A_482 = arith.constant 0 : i32
      %dma_wait3A_483 = tpu.memref_slice %arg6[%run_scoped3A_55, %dma_wait3A_481, %dma_wait3A_482] : memref<2x80x64xf32, #tpu.memory_space<vmem>> -> memref<1x80x64xf32, #tpu.memory_space<vmem>>
      %dma_wait3A_484 = tpu.memref_squeeze %dma_wait3A_483 : memref<1x80x64xf32, #tpu.memory_space<vmem>> -> memref<80x64xf32, #tpu.memory_space<vmem>>
      tpu.wait_dma2 semaphore(%run_scoped3A_460 : memref<!tpu.dma_semaphore, #tpu.memory_space<semaphore_mem>>) src(%dma_wait3A_484 : memref<80x64xf32, #tpu.memory_space<vmem>>) dst(%dma_wait3A_480 : memref<80x64xf32, #tpu.memory_space<hbm>>)
      tpu.yield
    }) : () -> ()
    %dma_start3A_56 = arith.constant 1 : i32
    %dma_start3A_57 = arith.constant 0 : i32
    %dma_start3A_58 = arith.constant 0 : i32
    %dma_start3A_59 = tpu.memref_slice %arg6[%dma_start3A_56, %dma_start3A_57, %dma_start3A_58] : memref<2x80x64xf32, #tpu.memory_space<vmem>> -> memref<1x80x64xf32, #tpu.memory_space<vmem>>
    %dma_start3A_60 = tpu.memref_squeeze %dma_start3A_59 : memref<1x80x64xf32, #tpu.memory_space<vmem>> -> memref<80x64xf32, #tpu.memory_space<vmem>>
    %dma_start3A_61 = arith.constant 240 : i32
    %dma_start3A_62 = tpu.memref_slice %arg5[%dma_start3A_61] : memref<1600xi32, #tpu.memory_space<vmem>> -> memref<80xi32, #tpu.memory_space<vmem>>
    %dma_start3A_63 = arith.constant 0 : i32
    %dma_start3A_64 = arith.constant 0 : i32
    %dma_start3A_65 = tpu.memref_slice %arg3[%dma_start3A_63, %dma_start3A_64] : memref<100000x64xf32, #tpu.memory_space<hbm>> -> memref<100000x64xf32, #tpu.memory_space<hbm>>
    tpu.enqueue_indirect_dma source(%dma_start3A_65 : memref<100000x64xf32, #tpu.memory_space<hbm>>) target(%dma_start3A_60 : memref<80x64xf32, #tpu.memory_space<vmem>>) offsets(%dma_start3A_62 : memref<80xi32, #tpu.memory_space<vmem>>) semaphore(%arg7 : memref<!tpu.dma_semaphore, #tpu.memory_space<semaphore_mem>>)
    %dma_wait3A_66 = arith.constant 0 : i32
    %dma_wait3A_67 = arith.constant 0 : i32
    %dma_wait3A_68 = arith.constant 0 : i32
    %dma_wait3A_69 = tpu.memref_slice %arg6[%dma_wait3A_66, %dma_wait3A_67, %dma_wait3A_68] : memref<2x80x64xf32, #tpu.memory_space<vmem>> -> memref<1x80x64xf32, #tpu.memory_space<vmem>>
    %dma_wait3A_70 = tpu.memref_squeeze %dma_wait3A_69 : memref<1x80x64xf32, #tpu.memory_space<vmem>> -> memref<80x64xf32, #tpu.memory_space<vmem>>
    %dma_wait3A_71 = arith.constant 160 : i32
    %dma_wait3A_72 = tpu.memref_slice %arg5[%dma_wait3A_71] : memref<1600xi32, #tpu.memory_space<vmem>> -> memref<80xi32, #tpu.memory_space<vmem>>
    %dma_wait3A_73 = arith.constant 0 : i32
    %dma_wait3A_74 = arith.constant 0 : i32
    %dma_wait3A_75 = tpu.memref_slice %arg3[%dma_wait3A_73, %dma_wait3A_74] : memref<100000x64xf32, #tpu.memory_space<hbm>> -> memref<100000x64xf32, #tpu.memory_space<hbm>>
    tpu.wait_indirect_dma semaphore(%arg7 : memref<!tpu.dma_semaphore, #tpu.memory_space<semaphore_mem>>) src(%dma_wait3A_75 : memref<100000x64xf32, #tpu.memory_space<hbm>>) dst(%dma_wait3A_70 : memref<80x64xf32, #tpu.memory_space<vmem>>)
    %add3A_76 = arith.constant 160 : i32
    %add3A_77 = arith.addi %mul3A_2, %add3A_76 : i32
    %run_scoped3A_78 = arith.constant 0 : i32
    "tpu.region"() ({
      %run_scoped3A_460 = tpu.sem_alloc : memref<!tpu.dma_semaphore, #tpu.memory_space<semaphore_mem>>
      %dma_start3A_461 = arith.constant 0 : i32
      %dma_start3A_462 = arith.constant 0 : i32
      %dma_start3A_463 = tpu.memref_slice %arg6[%run_scoped3A_78, %dma_start3A_461, %dma_start3A_462] : memref<2x80x64xf32, #tpu.memory_space<vmem>> -> memref<1x80x64xf32, #tpu.memory_space<vmem>>
      %dma_start3A_464 = tpu.memref_squeeze %dma_start3A_463 : memref<1x80x64xf32, #tpu.memory_space<vmem>> -> memref<80x64xf32, #tpu.memory_space<vmem>>
      %dma_start3A_465 = arith.constant 0 : i32
      %dma_start3A_466 = tpu.memref_slice %arg4[%add3A_77, %dma_start3A_465] : memref<51200x64xf32, #tpu.memory_space<hbm>> -> memref<80x64xf32, #tpu.memory_space<hbm>>
      %dma_start3A_467 = arith.constant 0 : i32
      %dma_start3A_468 = tpu.memref_slice %arg4[%add3A_77, %dma_start3A_467] : memref<51200x64xf32, #tpu.memory_space<hbm>> -> memref<80x64xf32, #tpu.memory_space<hbm>>
      %dma_start3A_469 = arith.constant 0 : i32
      %dma_start3A_470 = arith.constant 0 : i32
      %dma_start3A_471 = tpu.memref_slice %arg6[%run_scoped3A_78, %dma_start3A_469, %dma_start3A_470] : memref<2x80x64xf32, #tpu.memory_space<vmem>> -> memref<1x80x64xf32, #tpu.memory_space<vmem>>
      %dma_start3A_472 = tpu.memref_squeeze %dma_start3A_471 : memref<1x80x64xf32, #tpu.memory_space<vmem>> -> memref<80x64xf32, #tpu.memory_space<vmem>>
      tpu.enqueue_dma source(%dma_start3A_472 : memref<80x64xf32, #tpu.memory_space<vmem>>) target(%dma_start3A_468 : memref<80x64xf32, #tpu.memory_space<hbm>>) target_semaphore(%run_scoped3A_460 : memref<!tpu.dma_semaphore, #tpu.memory_space<semaphore_mem>>)
      %dma_wait3A_473 = arith.constant 0 : i32
      %dma_wait3A_474 = arith.constant 0 : i32
      %dma_wait3A_475 = tpu.memref_slice %arg6[%run_scoped3A_78, %dma_wait3A_473, %dma_wait3A_474] : memref<2x80x64xf32, #tpu.memory_space<vmem>> -> memref<1x80x64xf32, #tpu.memory_space<vmem>>
      %dma_wait3A_476 = tpu.memref_squeeze %dma_wait3A_475 : memref<1x80x64xf32, #tpu.memory_space<vmem>> -> memref<80x64xf32, #tpu.memory_space<vmem>>
      %dma_wait3A_477 = arith.constant 0 : i32
      %dma_wait3A_478 = tpu.memref_slice %arg4[%add3A_77, %dma_wait3A_477] : memref<51200x64xf32, #tpu.memory_space<hbm>> -> memref<80x64xf32, #tpu.memory_space<hbm>>
      %dma_wait3A_479 = arith.constant 0 : i32
      %dma_wait3A_480 = tpu.memref_slice %arg4[%add3A_77, %dma_wait3A_479] : memref<51200x64xf32, #tpu.memory_space<hbm>> -> memref<80x64xf32, #tpu.memory_space<hbm>>
      %dma_wait3A_481 = arith.constant 0 : i32
      %dma_wait3A_482 = arith.constant 0 : i32
      %dma_wait3A_483 = tpu.memref_slice %arg6[%run_scoped3A_78, %dma_wait3A_481, %dma_wait3A_482] : memref<2x80x64xf32, #tpu.memory_space<vmem>> -> memref<1x80x64xf32, #tpu.memory_space<vmem>>
      %dma_wait3A_484 = tpu.memref_squeeze %dma_wait3A_483 : memref<1x80x64xf32, #tpu.memory_space<vmem>> -> memref<80x64xf32, #tpu.memory_space<vmem>>
      tpu.wait_dma2 semaphore(%run_scoped3A_460 : memref<!tpu.dma_semaphore, #tpu.memory_space<semaphore_mem>>) src(%dma_wait3A_484 : memref<80x64xf32, #tpu.memory_space<vmem>>) dst(%dma_wait3A_480 : memref<80x64xf32, #tpu.memory_space<hbm>>)
      tpu.yield
    }) : () -> ()
    %dma_start3A_79 = arith.constant 0 : i32
    %dma_start3A_80 = arith.constant 0 : i32
    %dma_start3A_81 = arith.constant 0 : i32
    %dma_start3A_82 = tpu.memref_slice %arg6[%dma_start3A_79, %dma_start3A_80, %dma_start3A_81] : memref<2x80x64xf32, #tpu.memory_space<vmem>> -> memref<1x80x64xf32, #tpu.memory_space<vmem>>
    %dma_start3A_83 = tpu.memref_squeeze %dma_start3A_82 : memref<1x80x64xf32, #tpu.memory_space<vmem>> -> memref<80x64xf32, #tpu.memory_space<vmem>>
    %dma_start3A_84 = arith.constant 320 : i32
    %dma_start3A_85 = tpu.memref_slice %arg5[%dma_start3A_84] : memref<1600xi32, #tpu.memory_space<vmem>> -> memref<80xi32, #tpu.memory_space<vmem>>
    %dma_start3A_86 = arith.constant 0 : i32
    %dma_start3A_87 = arith.constant 0 : i32
    %dma_start3A_88 = tpu.memref_slice %arg3[%dma_start3A_86, %dma_start3A_87] : memref<100000x64xf32, #tpu.memory_space<hbm>> -> memref<100000x64xf32, #tpu.memory_space<hbm>>
    tpu.enqueue_indirect_dma source(%dma_start3A_88 : memref<100000x64xf32, #tpu.memory_space<hbm>>) target(%dma_start3A_83 : memref<80x64xf32, #tpu.memory_space<vmem>>) offsets(%dma_start3A_85 : memref<80xi32, #tpu.memory_space<vmem>>) semaphore(%arg7 : memref<!tpu.dma_semaphore, #tpu.memory_space<semaphore_mem>>)
    %dma_wait3A_89 = arith.constant 1 : i32
    %dma_wait3A_90 = arith.constant 0 : i32
    %dma_wait3A_91 = arith.constant 0 : i32
    %dma_wait3A_92 = tpu.memref_slice %arg6[%dma_wait3A_89, %dma_wait3A_90, %dma_wait3A_91] : memref<2x80x64xf32, #tpu.memory_space<vmem>> -> memref<1x80x64xf32, #tpu.memory_space<vmem>>
    %dma_wait3A_93 = tpu.memref_squeeze %dma_wait3A_92 : memref<1x80x64xf32, #tpu.memory_space<vmem>> -> memref<80x64xf32, #tpu.memory_space<vmem>>
    %dma_wait3A_94 = arith.constant 240 : i32
    %dma_wait3A_95 = tpu.memref_slice %arg5[%dma_wait3A_94] : memref<1600xi32, #tpu.memory_space<vmem>> -> memref<80xi32, #tpu.memory_space<vmem>>
    %dma_wait3A_96 = arith.constant 0 : i32
    %dma_wait3A_97 = arith.constant 0 : i32
    %dma_wait3A_98 = tpu.memref_slice %arg3[%dma_wait3A_96, %dma_wait3A_97] : memref<100000x64xf32, #tpu.memory_space<hbm>> -> memref<100000x64xf32, #tpu.memory_space<hbm>>
    tpu.wait_indirect_dma semaphore(%arg7 : memref<!tpu.dma_semaphore, #tpu.memory_space<semaphore_mem>>) src(%dma_wait3A_98 : memref<100000x64xf32, #tpu.memory_space<hbm>>) dst(%dma_wait3A_93 : memref<80x64xf32, #tpu.memory_space<vmem>>)
    %add3A_99 = arith.constant 240 : i32
    %add3A_100 = arith.addi %mul3A_2, %add3A_99 : i32
    %run_scoped3A_101 = arith.constant 1 : i32
    "tpu.region"() ({
      %run_scoped3A_460 = tpu.sem_alloc : memref<!tpu.dma_semaphore, #tpu.memory_space<semaphore_mem>>
      %dma_start3A_461 = arith.constant 0 : i32
      %dma_start3A_462 = arith.constant 0 : i32
      %dma_start3A_463 = tpu.memref_slice %arg6[%run_scoped3A_101, %dma_start3A_461, %dma_start3A_462] : memref<2x80x64xf32, #tpu.memory_space<vmem>> -> memref<1x80x64xf32, #tpu.memory_space<vmem>>
      %dma_start3A_464 = tpu.memref_squeeze %dma_start3A_463 : memref<1x80x64xf32, #tpu.memory_space<vmem>> -> memref<80x64xf32, #tpu.memory_space<vmem>>
      %dma_start3A_465 = arith.constant 0 : i32
      %dma_start3A_466 = tpu.memref_slice %arg4[%add3A_100, %dma_start3A_465] : memref<51200x64xf32, #tpu.memory_space<hbm>> -> memref<80x64xf32, #tpu.memory_space<hbm>>
      %dma_start3A_467 = arith.constant 0 : i32
      %dma_start3A_468 = tpu.memref_slice %arg4[%add3A_100, %dma_start3A_467] : memref<51200x64xf32, #tpu.memory_space<hbm>> -> memref<80x64xf32, #tpu.memory_space<hbm>>
      %dma_start3A_469 = arith.constant 0 : i32
      %dma_start3A_470 = arith.constant 0 : i32
      %dma_start3A_471 = tpu.memref_slice %arg6[%run_scoped3A_101, %dma_start3A_469, %dma_start3A_470] : memref<2x80x64xf32, #tpu.memory_space<vmem>> -> memref<1x80x64xf32, #tpu.memory_space<vmem>>
      %dma_start3A_472 = tpu.memref_squeeze %dma_start3A_471 : memref<1x80x64xf32, #tpu.memory_space<vmem>> -> memref<80x64xf32, #tpu.memory_space<vmem>>
      tpu.enqueue_dma source(%dma_start3A_472 : memref<80x64xf32, #tpu.memory_space<vmem>>) target(%dma_start3A_468 : memref<80x64xf32, #tpu.memory_space<hbm>>) target_semaphore(%run_scoped3A_460 : memref<!tpu.dma_semaphore, #tpu.memory_space<semaphore_mem>>)
      %dma_wait3A_473 = arith.constant 0 : i32
      %dma_wait3A_474 = arith.constant 0 : i32
      %dma_wait3A_475 = tpu.memref_slice %arg6[%run_scoped3A_101, %dma_wait3A_473, %dma_wait3A_474] : memref<2x80x64xf32, #tpu.memory_space<vmem>> -> memref<1x80x64xf32, #tpu.memory_space<vmem>>
      %dma_wait3A_476 = tpu.memref_squeeze %dma_wait3A_475 : memref<1x80x64xf32, #tpu.memory_space<vmem>> -> memref<80x64xf32, #tpu.memory_space<vmem>>
      %dma_wait3A_477 = arith.constant 0 : i32
      %dma_wait3A_478 = tpu.memref_slice %arg4[%add3A_100, %dma_wait3A_477] : memref<51200x64xf32, #tpu.memory_space<hbm>> -> memref<80x64xf32, #tpu.memory_space<hbm>>
      %dma_wait3A_479 = arith.constant 0 : i32
      %dma_wait3A_480 = tpu.memref_slice %arg4[%add3A_100, %dma_wait3A_479] : memref<51200x64xf32, #tpu.memory_space<hbm>> -> memref<80x64xf32, #tpu.memory_space<hbm>>
      %dma_wait3A_481 = arith.constant 0 : i32
      %dma_wait3A_482 = arith.constant 0 : i32
      %dma_wait3A_483 = tpu.memref_slice %arg6[%run_scoped3A_101, %dma_wait3A_481, %dma_wait3A_482] : memref<2x80x64xf32, #tpu.memory_space<vmem>> -> memref<1x80x64xf32, #tpu.memory_space<vmem>>
      %dma_wait3A_484 = tpu.memref_squeeze %dma_wait3A_483 : memref<1x80x64xf32, #tpu.memory_space<vmem>> -> memref<80x64xf32, #tpu.memory_space<vmem>>
      tpu.wait_dma2 semaphore(%run_scoped3A_460 : memref<!tpu.dma_semaphore, #tpu.memory_space<semaphore_mem>>) src(%dma_wait3A_484 : memref<80x64xf32, #tpu.memory_space<vmem>>) dst(%dma_wait3A_480 : memref<80x64xf32, #tpu.memory_space<hbm>>)
      tpu.yield
    }) : () -> ()
    %dma_start3A_102 = arith.constant 1 : i32
    %dma_start3A_103 = arith.constant 0 : i32
    %dma_start3A_104 = arith.constant 0 : i32
    %dma_start3A_105 = tpu.memref_slice %arg6[%dma_start3A_102, %dma_start3A_103, %dma_start3A_104] : memref<2x80x64xf32, #tpu.memory_space<vmem>> -> memref<1x80x64xf32, #tpu.memory_space<vmem>>
    %dma_start3A_106 = tpu.memref_squeeze %dma_start3A_105 : memref<1x80x64xf32, #tpu.memory_space<vmem>> -> memref<80x64xf32, #tpu.memory_space<vmem>>
    %dma_start3A_107 = arith.constant 400 : i32
    %dma_start3A_108 = tpu.memref_slice %arg5[%dma_start3A_107] : memref<1600xi32, #tpu.memory_space<vmem>> -> memref<80xi32, #tpu.memory_space<vmem>>
    %dma_start3A_109 = arith.constant 0 : i32
    %dma_start3A_110 = arith.constant 0 : i32
    %dma_start3A_111 = tpu.memref_slice %arg3[%dma_start3A_109, %dma_start3A_110] : memref<100000x64xf32, #tpu.memory_space<hbm>> -> memref<100000x64xf32, #tpu.memory_space<hbm>>
    tpu.enqueue_indirect_dma source(%dma_start3A_111 : memref<100000x64xf32, #tpu.memory_space<hbm>>) target(%dma_start3A_106 : memref<80x64xf32, #tpu.memory_space<vmem>>) offsets(%dma_start3A_108 : memref<80xi32, #tpu.memory_space<vmem>>) semaphore(%arg7 : memref<!tpu.dma_semaphore, #tpu.memory_space<semaphore_mem>>)
    %dma_wait3A_112 = arith.constant 0 : i32
    %dma_wait3A_113 = arith.constant 0 : i32
    %dma_wait3A_114 = arith.constant 0 : i32
    %dma_wait3A_115 = tpu.memref_slice %arg6[%dma_wait3A_112, %dma_wait3A_113, %dma_wait3A_114] : memref<2x80x64xf32, #tpu.memory_space<vmem>> -> memref<1x80x64xf32, #tpu.memory_space<vmem>>
    %dma_wait3A_116 = tpu.memref_squeeze %dma_wait3A_115 : memref<1x80x64xf32, #tpu.memory_space<vmem>> -> memref<80x64xf32, #tpu.memory_space<vmem>>
    %dma_wait3A_117 = arith.constant 320 : i32
    %dma_wait3A_118 = tpu.memref_slice %arg5[%dma_wait3A_117] : memref<1600xi32, #tpu.memory_space<vmem>> -> memref<80xi32, #tpu.memory_space<vmem>>
    %dma_wait3A_119 = arith.constant 0 : i32
    %dma_wait3A_120 = arith.constant 0 : i32
    %dma_wait3A_121 = tpu.memref_slice %arg3[%dma_wait3A_119, %dma_wait3A_120] : memref<100000x64xf32, #tpu.memory_space<hbm>> -> memref<100000x64xf32, #tpu.memory_space<hbm>>
    tpu.wait_indirect_dma semaphore(%arg7 : memref<!tpu.dma_semaphore, #tpu.memory_space<semaphore_mem>>) src(%dma_wait3A_121 : memref<100000x64xf32, #tpu.memory_space<hbm>>) dst(%dma_wait3A_116 : memref<80x64xf32, #tpu.memory_space<vmem>>)
    %add3A_122 = arith.constant 320 : i32
    %add3A_123 = arith.addi %mul3A_2, %add3A_122 : i32
    %run_scoped3A_124 = arith.constant 0 : i32
    "tpu.region"() ({
      %run_scoped3A_460 = tpu.sem_alloc : memref<!tpu.dma_semaphore, #tpu.memory_space<semaphore_mem>>
      %dma_start3A_461 = arith.constant 0 : i32
      %dma_start3A_462 = arith.constant 0 : i32
      %dma_start3A_463 = tpu.memref_slice %arg6[%run_scoped3A_124, %dma_start3A_461, %dma_start3A_462] : memref<2x80x64xf32, #tpu.memory_space<vmem>> -> memref<1x80x64xf32, #tpu.memory_space<vmem>>
      %dma_start3A_464 = tpu.memref_squeeze %dma_start3A_463 : memref<1x80x64xf32, #tpu.memory_space<vmem>> -> memref<80x64xf32, #tpu.memory_space<vmem>>
      %dma_start3A_465 = arith.constant 0 : i32
      %dma_start3A_466 = tpu.memref_slice %arg4[%add3A_123, %dma_start3A_465] : memref<51200x64xf32, #tpu.memory_space<hbm>> -> memref<80x64xf32, #tpu.memory_space<hbm>>
      %dma_start3A_467 = arith.constant 0 : i32
      %dma_start3A_468 = tpu.memref_slice %arg4[%add3A_123, %dma_start3A_467] : memref<51200x64xf32, #tpu.memory_space<hbm>> -> memref<80x64xf32, #tpu.memory_space<hbm>>
      %dma_start3A_469 = arith.constant 0 : i32
      %dma_start3A_470 = arith.constant 0 : i32
      %dma_start3A_471 = tpu.memref_slice %arg6[%run_scoped3A_124, %dma_start3A_469, %dma_start3A_470] : memref<2x80x64xf32, #tpu.memory_space<vmem>> -> memref<1x80x64xf32, #tpu.memory_space<vmem>>
      %dma_start3A_472 = tpu.memref_squeeze %dma_start3A_471 : memref<1x80x64xf32, #tpu.memory_space<vmem>> -> memref<80x64xf32, #tpu.memory_space<vmem>>
      tpu.enqueue_dma source(%dma_start3A_472 : memref<80x64xf32, #tpu.memory_space<vmem>>) target(%dma_start3A_468 : memref<80x64xf32, #tpu.memory_space<hbm>>) target_semaphore(%run_scoped3A_460 : memref<!tpu.dma_semaphore, #tpu.memory_space<semaphore_mem>>)
      %dma_wait3A_473 = arith.constant 0 : i32
      %dma_wait3A_474 = arith.constant 0 : i32
      %dma_wait3A_475 = tpu.memref_slice %arg6[%run_scoped3A_124, %dma_wait3A_473, %dma_wait3A_474] : memref<2x80x64xf32, #tpu.memory_space<vmem>> -> memref<1x80x64xf32, #tpu.memory_space<vmem>>
      %dma_wait3A_476 = tpu.memref_squeeze %dma_wait3A_475 : memref<1x80x64xf32, #tpu.memory_space<vmem>> -> memref<80x64xf32, #tpu.memory_space<vmem>>
      %dma_wait3A_477 = arith.constant 0 : i32
      %dma_wait3A_478 = tpu.memref_slice %arg4[%add3A_123, %dma_wait3A_477] : memref<51200x64xf32, #tpu.memory_space<hbm>> -> memref<80x64xf32, #tpu.memory_space<hbm>>
      %dma_wait3A_479 = arith.constant 0 : i32
      %dma_wait3A_480 = tpu.memref_slice %arg4[%add3A_123, %dma_wait3A_479] : memref<51200x64xf32, #tpu.memory_space<hbm>> -> memref<80x64xf32, #tpu.memory_space<hbm>>
      %dma_wait3A_481 = arith.constant 0 : i32
      %dma_wait3A_482 = arith.constant 0 : i32
      %dma_wait3A_483 = tpu.memref_slice %arg6[%run_scoped3A_124, %dma_wait3A_481, %dma_wait3A_482] : memref<2x80x64xf32, #tpu.memory_space<vmem>> -> memref<1x80x64xf32, #tpu.memory_space<vmem>>
      %dma_wait3A_484 = tpu.memref_squeeze %dma_wait3A_483 : memref<1x80x64xf32, #tpu.memory_space<vmem>> -> memref<80x64xf32, #tpu.memory_space<vmem>>
      tpu.wait_dma2 semaphore(%run_scoped3A_460 : memref<!tpu.dma_semaphore, #tpu.memory_space<semaphore_mem>>) src(%dma_wait3A_484 : memref<80x64xf32, #tpu.memory_space<vmem>>) dst(%dma_wait3A_480 : memref<80x64xf32, #tpu.memory_space<hbm>>)
      tpu.yield
    }) : () -> ()
    %dma_start3A_125 = arith.constant 0 : i32
    %dma_start3A_126 = arith.constant 0 : i32
    %dma_start3A_127 = arith.constant 0 : i32
    %dma_start3A_128 = tpu.memref_slice %arg6[%dma_start3A_125, %dma_start3A_126, %dma_start3A_127] : memref<2x80x64xf32, #tpu.memory_space<vmem>> -> memref<1x80x64xf32, #tpu.memory_space<vmem>>
    %dma_start3A_129 = tpu.memref_squeeze %dma_start3A_128 : memref<1x80x64xf32, #tpu.memory_space<vmem>> -> memref<80x64xf32, #tpu.memory_space<vmem>>
    %dma_start3A_130 = arith.constant 480 : i32
    %dma_start3A_131 = tpu.memref_slice %arg5[%dma_start3A_130] : memref<1600xi32, #tpu.memory_space<vmem>> -> memref<80xi32, #tpu.memory_space<vmem>>
    %dma_start3A_132 = arith.constant 0 : i32
    %dma_start3A_133 = arith.constant 0 : i32
    %dma_start3A_134 = tpu.memref_slice %arg3[%dma_start3A_132, %dma_start3A_133] : memref<100000x64xf32, #tpu.memory_space<hbm>> -> memref<100000x64xf32, #tpu.memory_space<hbm>>
    tpu.enqueue_indirect_dma source(%dma_start3A_134 : memref<100000x64xf32, #tpu.memory_space<hbm>>) target(%dma_start3A_129 : memref<80x64xf32, #tpu.memory_space<vmem>>) offsets(%dma_start3A_131 : memref<80xi32, #tpu.memory_space<vmem>>) semaphore(%arg7 : memref<!tpu.dma_semaphore, #tpu.memory_space<semaphore_mem>>)
    %dma_wait3A_135 = arith.constant 1 : i32
    %dma_wait3A_136 = arith.constant 0 : i32
    %dma_wait3A_137 = arith.constant 0 : i32
    %dma_wait3A_138 = tpu.memref_slice %arg6[%dma_wait3A_135, %dma_wait3A_136, %dma_wait3A_137] : memref<2x80x64xf32, #tpu.memory_space<vmem>> -> memref<1x80x64xf32, #tpu.memory_space<vmem>>
    %dma_wait3A_139 = tpu.memref_squeeze %dma_wait3A_138 : memref<1x80x64xf32, #tpu.memory_space<vmem>> -> memref<80x64xf32, #tpu.memory_space<vmem>>
    %dma_wait3A_140 = arith.constant 400 : i32
    %dma_wait3A_141 = tpu.memref_slice %arg5[%dma_wait3A_140] : memref<1600xi32, #tpu.memory_space<vmem>> -> memref<80xi32, #tpu.memory_space<vmem>>
    %dma_wait3A_142 = arith.constant 0 : i32
    %dma_wait3A_143 = arith.constant 0 : i32
    %dma_wait3A_144 = tpu.memref_slice %arg3[%dma_wait3A_142, %dma_wait3A_143] : memref<100000x64xf32, #tpu.memory_space<hbm>> -> memref<100000x64xf32, #tpu.memory_space<hbm>>
    tpu.wait_indirect_dma semaphore(%arg7 : memref<!tpu.dma_semaphore, #tpu.memory_space<semaphore_mem>>) src(%dma_wait3A_144 : memref<100000x64xf32, #tpu.memory_space<hbm>>) dst(%dma_wait3A_139 : memref<80x64xf32, #tpu.memory_space<vmem>>)
    %add3A_145 = arith.constant 400 : i32
    %add3A_146 = arith.addi %mul3A_2, %add3A_145 : i32
    %run_scoped3A_147 = arith.constant 1 : i32
    "tpu.region"() ({
      %run_scoped3A_460 = tpu.sem_alloc : memref<!tpu.dma_semaphore, #tpu.memory_space<semaphore_mem>>
      %dma_start3A_461 = arith.constant 0 : i32
      %dma_start3A_462 = arith.constant 0 : i32
      %dma_start3A_463 = tpu.memref_slice %arg6[%run_scoped3A_147, %dma_start3A_461, %dma_start3A_462] : memref<2x80x64xf32, #tpu.memory_space<vmem>> -> memref<1x80x64xf32, #tpu.memory_space<vmem>>
      %dma_start3A_464 = tpu.memref_squeeze %dma_start3A_463 : memref<1x80x64xf32, #tpu.memory_space<vmem>> -> memref<80x64xf32, #tpu.memory_space<vmem>>
      %dma_start3A_465 = arith.constant 0 : i32
      %dma_start3A_466 = tpu.memref_slice %arg4[%add3A_146, %dma_start3A_465] : memref<51200x64xf32, #tpu.memory_space<hbm>> -> memref<80x64xf32, #tpu.memory_space<hbm>>
      %dma_start3A_467 = arith.constant 0 : i32
      %dma_start3A_468 = tpu.memref_slice %arg4[%add3A_146, %dma_start3A_467] : memref<51200x64xf32, #tpu.memory_space<hbm>> -> memref<80x64xf32, #tpu.memory_space<hbm>>
      %dma_start3A_469 = arith.constant 0 : i32
      %dma_start3A_470 = arith.constant 0 : i32
      %dma_start3A_471 = tpu.memref_slice %arg6[%run_scoped3A_147, %dma_start3A_469, %dma_start3A_470] : memref<2x80x64xf32, #tpu.memory_space<vmem>> -> memref<1x80x64xf32, #tpu.memory_space<vmem>>
      %dma_start3A_472 = tpu.memref_squeeze %dma_start3A_471 : memref<1x80x64xf32, #tpu.memory_space<vmem>> -> memref<80x64xf32, #tpu.memory_space<vmem>>
      tpu.enqueue_dma source(%dma_start3A_472 : memref<80x64xf32, #tpu.memory_space<vmem>>) target(%dma_start3A_468 : memref<80x64xf32, #tpu.memory_space<hbm>>) target_semaphore(%run_scoped3A_460 : memref<!tpu.dma_semaphore, #tpu.memory_space<semaphore_mem>>)
      %dma_wait3A_473 = arith.constant 0 : i32
      %dma_wait3A_474 = arith.constant 0 : i32
      %dma_wait3A_475 = tpu.memref_slice %arg6[%run_scoped3A_147, %dma_wait3A_473, %dma_wait3A_474] : memref<2x80x64xf32, #tpu.memory_space<vmem>> -> memref<1x80x64xf32, #tpu.memory_space<vmem>>
      %dma_wait3A_476 = tpu.memref_squeeze %dma_wait3A_475 : memref<1x80x64xf32, #tpu.memory_space<vmem>> -> memref<80x64xf32, #tpu.memory_space<vmem>>
      %dma_wait3A_477 = arith.constant 0 : i32
      %dma_wait3A_478 = tpu.memref_slice %arg4[%add3A_146, %dma_wait3A_477] : memref<51200x64xf32, #tpu.memory_space<hbm>> -> memref<80x64xf32, #tpu.memory_space<hbm>>
      %dma_wait3A_479 = arith.constant 0 : i32
      %dma_wait3A_480 = tpu.memref_slice %arg4[%add3A_146, %dma_wait3A_479] : memref<51200x64xf32, #tpu.memory_space<hbm>> -> memref<80x64xf32, #tpu.memory_space<hbm>>
      %dma_wait3A_481 = arith.constant 0 : i32
      %dma_wait3A_482 = arith.constant 0 : i32
      %dma_wait3A_483 = tpu.memref_slice %arg6[%run_scoped3A_147, %dma_wait3A_481, %dma_wait3A_482] : memref<2x80x64xf32, #tpu.memory_space<vmem>> -> memref<1x80x64xf32, #tpu.memory_space<vmem>>
      %dma_wait3A_484 = tpu.memref_squeeze %dma_wait3A_483 : memref<1x80x64xf32, #tpu.memory_space<vmem>> -> memref<80x64xf32, #tpu.memory_space<vmem>>
      tpu.wait_dma2 semaphore(%run_scoped3A_460 : memref<!tpu.dma_semaphore, #tpu.memory_space<semaphore_mem>>) src(%dma_wait3A_484 : memref<80x64xf32, #tpu.memory_space<vmem>>) dst(%dma_wait3A_480 : memref<80x64xf32, #tpu.memory_space<hbm>>)
      tpu.yield
    }) : () -> ()
    %dma_start3A_148 = arith.constant 1 : i32
    %dma_start3A_149 = arith.constant 0 : i32
    %dma_start3A_150 = arith.constant 0 : i32
    %dma_start3A_151 = tpu.memref_slice %arg6[%dma_start3A_148, %dma_start3A_149, %dma_start3A_150] : memref<2x80x64xf32, #tpu.memory_space<vmem>> -> memref<1x80x64xf32, #tpu.memory_space<vmem>>
    %dma_start3A_152 = tpu.memref_squeeze %dma_start3A_151 : memref<1x80x64xf32, #tpu.memory_space<vmem>> -> memref<80x64xf32, #tpu.memory_space<vmem>>
    %dma_start3A_153 = arith.constant 560 : i32
    %dma_start3A_154 = tpu.memref_slice %arg5[%dma_start3A_153] : memref<1600xi32, #tpu.memory_space<vmem>> -> memref<80xi32, #tpu.memory_space<vmem>>
    %dma_start3A_155 = arith.constant 0 : i32
    %dma_start3A_156 = arith.constant 0 : i32
    %dma_start3A_157 = tpu.memref_slice %arg3[%dma_start3A_155, %dma_start3A_156] : memref<100000x64xf32, #tpu.memory_space<hbm>> -> memref<100000x64xf32, #tpu.memory_space<hbm>>
    tpu.enqueue_indirect_dma source(%dma_start3A_157 : memref<100000x64xf32, #tpu.memory_space<hbm>>) target(%dma_start3A_152 : memref<80x64xf32, #tpu.memory_space<vmem>>) offsets(%dma_start3A_154 : memref<80xi32, #tpu.memory_space<vmem>>) semaphore(%arg7 : memref<!tpu.dma_semaphore, #tpu.memory_space<semaphore_mem>>)
    %dma_wait3A_158 = arith.constant 0 : i32
    %dma_wait3A_159 = arith.constant 0 : i32
    %dma_wait3A_160 = arith.constant 0 : i32
    %dma_wait3A_161 = tpu.memref_slice %arg6[%dma_wait3A_158, %dma_wait3A_159, %dma_wait3A_160] : memref<2x80x64xf32, #tpu.memory_space<vmem>> -> memref<1x80x64xf32, #tpu.memory_space<vmem>>
    %dma_wait3A_162 = tpu.memref_squeeze %dma_wait3A_161 : memref<1x80x64xf32, #tpu.memory_space<vmem>> -> memref<80x64xf32, #tpu.memory_space<vmem>>
    %dma_wait3A_163 = arith.constant 480 : i32
    %dma_wait3A_164 = tpu.memref_slice %arg5[%dma_wait3A_163] : memref<1600xi32, #tpu.memory_space<vmem>> -> memref<80xi32, #tpu.memory_space<vmem>>
    %dma_wait3A_165 = arith.constant 0 : i32
    %dma_wait3A_166 = arith.constant 0 : i32
    %dma_wait3A_167 = tpu.memref_slice %arg3[%dma_wait3A_165, %dma_wait3A_166] : memref<100000x64xf32, #tpu.memory_space<hbm>> -> memref<100000x64xf32, #tpu.memory_space<hbm>>
    tpu.wait_indirect_dma semaphore(%arg7 : memref<!tpu.dma_semaphore, #tpu.memory_space<semaphore_mem>>) src(%dma_wait3A_167 : memref<100000x64xf32, #tpu.memory_space<hbm>>) dst(%dma_wait3A_162 : memref<80x64xf32, #tpu.memory_space<vmem>>)
    %add3A_168 = arith.constant 480 : i32
    %add3A_169 = arith.addi %mul3A_2, %add3A_168 : i32
    %run_scoped3A_170 = arith.constant 0 : i32
    "tpu.region"() ({
      %run_scoped3A_460 = tpu.sem_alloc : memref<!tpu.dma_semaphore, #tpu.memory_space<semaphore_mem>>
      %dma_start3A_461 = arith.constant 0 : i32
      %dma_start3A_462 = arith.constant 0 : i32
      %dma_start3A_463 = tpu.memref_slice %arg6[%run_scoped3A_170, %dma_start3A_461, %dma_start3A_462] : memref<2x80x64xf32, #tpu.memory_space<vmem>> -> memref<1x80x64xf32, #tpu.memory_space<vmem>>
      %dma_start3A_464 = tpu.memref_squeeze %dma_start3A_463 : memref<1x80x64xf32, #tpu.memory_space<vmem>> -> memref<80x64xf32, #tpu.memory_space<vmem>>
      %dma_start3A_465 = arith.constant 0 : i32
      %dma_start3A_466 = tpu.memref_slice %arg4[%add3A_169, %dma_start3A_465] : memref<51200x64xf32, #tpu.memory_space<hbm>> -> memref<80x64xf32, #tpu.memory_space<hbm>>
      %dma_start3A_467 = arith.constant 0 : i32
      %dma_start3A_468 = tpu.memref_slice %arg4[%add3A_169, %dma_start3A_467] : memref<51200x64xf32, #tpu.memory_space<hbm>> -> memref<80x64xf32, #tpu.memory_space<hbm>>
      %dma_start3A_469 = arith.constant 0 : i32
      %dma_start3A_470 = arith.constant 0 : i32
      %dma_start3A_471 = tpu.memref_slice %arg6[%run_scoped3A_170, %dma_start3A_469, %dma_start3A_470] : memref<2x80x64xf32, #tpu.memory_space<vmem>> -> memref<1x80x64xf32, #tpu.memory_space<vmem>>
      %dma_start3A_472 = tpu.memref_squeeze %dma_start3A_471 : memref<1x80x64xf32, #tpu.memory_space<vmem>> -> memref<80x64xf32, #tpu.memory_space<vmem>>
      tpu.enqueue_dma source(%dma_start3A_472 : memref<80x64xf32, #tpu.memory_space<vmem>>) target(%dma_start3A_468 : memref<80x64xf32, #tpu.memory_space<hbm>>) target_semaphore(%run_scoped3A_460 : memref<!tpu.dma_semaphore, #tpu.memory_space<semaphore_mem>>)
      %dma_wait3A_473 = arith.constant 0 : i32
      %dma_wait3A_474 = arith.constant 0 : i32
      %dma_wait3A_475 = tpu.memref_slice %arg6[%run_scoped3A_170, %dma_wait3A_473, %dma_wait3A_474] : memref<2x80x64xf32, #tpu.memory_space<vmem>> -> memref<1x80x64xf32, #tpu.memory_space<vmem>>
      %dma_wait3A_476 = tpu.memref_squeeze %dma_wait3A_475 : memref<1x80x64xf32, #tpu.memory_space<vmem>> -> memref<80x64xf32, #tpu.memory_space<vmem>>
      %dma_wait3A_477 = arith.constant 0 : i32
      %dma_wait3A_478 = tpu.memref_slice %arg4[%add3A_169, %dma_wait3A_477] : memref<51200x64xf32, #tpu.memory_space<hbm>> -> memref<80x64xf32, #tpu.memory_space<hbm>>
      %dma_wait3A_479 = arith.constant 0 : i32
      %dma_wait3A_480 = tpu.memref_slice %arg4[%add3A_169, %dma_wait3A_479] : memref<51200x64xf32, #tpu.memory_space<hbm>> -> memref<80x64xf32, #tpu.memory_space<hbm>>
      %dma_wait3A_481 = arith.constant 0 : i32
      %dma_wait3A_482 = arith.constant 0 : i32
      %dma_wait3A_483 = tpu.memref_slice %arg6[%run_scoped3A_170, %dma_wait3A_481, %dma_wait3A_482] : memref<2x80x64xf32, #tpu.memory_space<vmem>> -> memref<1x80x64xf32, #tpu.memory_space<vmem>>
      %dma_wait3A_484 = tpu.memref_squeeze %dma_wait3A_483 : memref<1x80x64xf32, #tpu.memory_space<vmem>> -> memref<80x64xf32, #tpu.memory_space<vmem>>
      tpu.wait_dma2 semaphore(%run_scoped3A_460 : memref<!tpu.dma_semaphore, #tpu.memory_space<semaphore_mem>>) src(%dma_wait3A_484 : memref<80x64xf32, #tpu.memory_space<vmem>>) dst(%dma_wait3A_480 : memref<80x64xf32, #tpu.memory_space<hbm>>)
      tpu.yield
    }) : () -> ()
    %dma_start3A_171 = arith.constant 0 : i32
    %dma_start3A_172 = arith.constant 0 : i32
    %dma_start3A_173 = arith.constant 0 : i32
    %dma_start3A_174 = tpu.memref_slice %arg6[%dma_start3A_171, %dma_start3A_172, %dma_start3A_173] : memref<2x80x64xf32, #tpu.memory_space<vmem>> -> memref<1x80x64xf32, #tpu.memory_space<vmem>>
    %dma_start3A_175 = tpu.memref_squeeze %dma_start3A_174 : memref<1x80x64xf32, #tpu.memory_space<vmem>> -> memref<80x64xf32, #tpu.memory_space<vmem>>
    %dma_start3A_176 = arith.constant 640 : i32
    %dma_start3A_177 = tpu.memref_slice %arg5[%dma_start3A_176] : memref<1600xi32, #tpu.memory_space<vmem>> -> memref<80xi32, #tpu.memory_space<vmem>>
    %dma_start3A_178 = arith.constant 0 : i32
    %dma_start3A_179 = arith.constant 0 : i32
    %dma_start3A_180 = tpu.memref_slice %arg3[%dma_start3A_178, %dma_start3A_179] : memref<100000x64xf32, #tpu.memory_space<hbm>> -> memref<100000x64xf32, #tpu.memory_space<hbm>>
    tpu.enqueue_indirect_dma source(%dma_start3A_180 : memref<100000x64xf32, #tpu.memory_space<hbm>>) target(%dma_start3A_175 : memref<80x64xf32, #tpu.memory_space<vmem>>) offsets(%dma_start3A_177 : memref<80xi32, #tpu.memory_space<vmem>>) semaphore(%arg7 : memref<!tpu.dma_semaphore, #tpu.memory_space<semaphore_mem>>)
    %dma_wait3A_181 = arith.constant 1 : i32
    %dma_wait3A_182 = arith.constant 0 : i32
    %dma_wait3A_183 = arith.constant 0 : i32
    %dma_wait3A_184 = tpu.memref_slice %arg6[%dma_wait3A_181, %dma_wait3A_182, %dma_wait3A_183] : memref<2x80x64xf32, #tpu.memory_space<vmem>> -> memref<1x80x64xf32, #tpu.memory_space<vmem>>
    %dma_wait3A_185 = tpu.memref_squeeze %dma_wait3A_184 : memref<1x80x64xf32, #tpu.memory_space<vmem>> -> memref<80x64xf32, #tpu.memory_space<vmem>>
    %dma_wait3A_186 = arith.constant 560 : i32
    %dma_wait3A_187 = tpu.memref_slice %arg5[%dma_wait3A_186] : memref<1600xi32, #tpu.memory_space<vmem>> -> memref<80xi32, #tpu.memory_space<vmem>>
    %dma_wait3A_188 = arith.constant 0 : i32
    %dma_wait3A_189 = arith.constant 0 : i32
    %dma_wait3A_190 = tpu.memref_slice %arg3[%dma_wait3A_188, %dma_wait3A_189] : memref<100000x64xf32, #tpu.memory_space<hbm>> -> memref<100000x64xf32, #tpu.memory_space<hbm>>
    tpu.wait_indirect_dma semaphore(%arg7 : memref<!tpu.dma_semaphore, #tpu.memory_space<semaphore_mem>>) src(%dma_wait3A_190 : memref<100000x64xf32, #tpu.memory_space<hbm>>) dst(%dma_wait3A_185 : memref<80x64xf32, #tpu.memory_space<vmem>>)
    %add3A_191 = arith.constant 560 : i32
    %add3A_192 = arith.addi %mul3A_2, %add3A_191 : i32
    %run_scoped3A_193 = arith.constant 1 : i32
    "tpu.region"() ({
      %run_scoped3A_460 = tpu.sem_alloc : memref<!tpu.dma_semaphore, #tpu.memory_space<semaphore_mem>>
      %dma_start3A_461 = arith.constant 0 : i32
      %dma_start3A_462 = arith.constant 0 : i32
      %dma_start3A_463 = tpu.memref_slice %arg6[%run_scoped3A_193, %dma_start3A_461, %dma_start3A_462] : memref<2x80x64xf32, #tpu.memory_space<vmem>> -> memref<1x80x64xf32, #tpu.memory_space<vmem>>
      %dma_start3A_464 = tpu.memref_squeeze %dma_start3A_463 : memref<1x80x64xf32, #tpu.memory_space<vmem>> -> memref<80x64xf32, #tpu.memory_space<vmem>>
      %dma_start3A_465 = arith.constant 0 : i32
      %dma_start3A_466 = tpu.memref_slice %arg4[%add3A_192, %dma_start3A_465] : memref<51200x64xf32, #tpu.memory_space<hbm>> -> memref<80x64xf32, #tpu.memory_space<hbm>>
      %dma_start3A_467 = arith.constant 0 : i32
      %dma_start3A_468 = tpu.memref_slice %arg4[%add3A_192, %dma_start3A_467] : memref<51200x64xf32, #tpu.memory_space<hbm>> -> memref<80x64xf32, #tpu.memory_space<hbm>>
      %dma_start3A_469 = arith.constant 0 : i32
      %dma_start3A_470 = arith.constant 0 : i32
      %dma_start3A_471 = tpu.memref_slice %arg6[%run_scoped3A_193, %dma_start3A_469, %dma_start3A_470] : memref<2x80x64xf32, #tpu.memory_space<vmem>> -> memref<1x80x64xf32, #tpu.memory_space<vmem>>
      %dma_start3A_472 = tpu.memref_squeeze %dma_start3A_471 : memref<1x80x64xf32, #tpu.memory_space<vmem>> -> memref<80x64xf32, #tpu.memory_space<vmem>>
      tpu.enqueue_dma source(%dma_start3A_472 : memref<80x64xf32, #tpu.memory_space<vmem>>) target(%dma_start3A_468 : memref<80x64xf32, #tpu.memory_space<hbm>>) target_semaphore(%run_scoped3A_460 : memref<!tpu.dma_semaphore, #tpu.memory_space<semaphore_mem>>)
      %dma_wait3A_473 = arith.constant 0 : i32
      %dma_wait3A_474 = arith.constant 0 : i32
      %dma_wait3A_475 = tpu.memref_slice %arg6[%run_scoped3A_193, %dma_wait3A_473, %dma_wait3A_474] : memref<2x80x64xf32, #tpu.memory_space<vmem>> -> memref<1x80x64xf32, #tpu.memory_space<vmem>>
      %dma_wait3A_476 = tpu.memref_squeeze %dma_wait3A_475 : memref<1x80x64xf32, #tpu.memory_space<vmem>> -> memref<80x64xf32, #tpu.memory_space<vmem>>
      %dma_wait3A_477 = arith.constant 0 : i32
      %dma_wait3A_478 = tpu.memref_slice %arg4[%add3A_192, %dma_wait3A_477] : memref<51200x64xf32, #tpu.memory_space<hbm>> -> memref<80x64xf32, #tpu.memory_space<hbm>>
      %dma_wait3A_479 = arith.constant 0 : i32
      %dma_wait3A_480 = tpu.memref_slice %arg4[%add3A_192, %dma_wait3A_479] : memref<51200x64xf32, #tpu.memory_space<hbm>> -> memref<80x64xf32, #tpu.memory_space<hbm>>
      %dma_wait3A_481 = arith.constant 0 : i32
      %dma_wait3A_482 = arith.constant 0 : i32
      %dma_wait3A_483 = tpu.memref_slice %arg6[%run_scoped3A_193, %dma_wait3A_481, %dma_wait3A_482] : memref<2x80x64xf32, #tpu.memory_space<vmem>> -> memref<1x80x64xf32, #tpu.memory_space<vmem>>
      %dma_wait3A_484 = tpu.memref_squeeze %dma_wait3A_483 : memref<1x80x64xf32, #tpu.memory_space<vmem>> -> memref<80x64xf32, #tpu.memory_space<vmem>>
      tpu.wait_dma2 semaphore(%run_scoped3A_460 : memref<!tpu.dma_semaphore, #tpu.memory_space<semaphore_mem>>) src(%dma_wait3A_484 : memref<80x64xf32, #tpu.memory_space<vmem>>) dst(%dma_wait3A_480 : memref<80x64xf32, #tpu.memory_space<hbm>>)
      tpu.yield
    }) : () -> ()
    %dma_start3A_194 = arith.constant 1 : i32
    %dma_start3A_195 = arith.constant 0 : i32
    %dma_start3A_196 = arith.constant 0 : i32
    %dma_start3A_197 = tpu.memref_slice %arg6[%dma_start3A_194, %dma_start3A_195, %dma_start3A_196] : memref<2x80x64xf32, #tpu.memory_space<vmem>> -> memref<1x80x64xf32, #tpu.memory_space<vmem>>
    %dma_start3A_198 = tpu.memref_squeeze %dma_start3A_197 : memref<1x80x64xf32, #tpu.memory_space<vmem>> -> memref<80x64xf32, #tpu.memory_space<vmem>>
    %dma_start3A_199 = arith.constant 720 : i32
    %dma_start3A_200 = tpu.memref_slice %arg5[%dma_start3A_199] : memref<1600xi32, #tpu.memory_space<vmem>> -> memref<80xi32, #tpu.memory_space<vmem>>
    %dma_start3A_201 = arith.constant 0 : i32
    %dma_start3A_202 = arith.constant 0 : i32
    %dma_start3A_203 = tpu.memref_slice %arg3[%dma_start3A_201, %dma_start3A_202] : memref<100000x64xf32, #tpu.memory_space<hbm>> -> memref<100000x64xf32, #tpu.memory_space<hbm>>
    tpu.enqueue_indirect_dma source(%dma_start3A_203 : memref<100000x64xf32, #tpu.memory_space<hbm>>) target(%dma_start3A_198 : memref<80x64xf32, #tpu.memory_space<vmem>>) offsets(%dma_start3A_200 : memref<80xi32, #tpu.memory_space<vmem>>) semaphore(%arg7 : memref<!tpu.dma_semaphore, #tpu.memory_space<semaphore_mem>>)
    %dma_wait3A_204 = arith.constant 0 : i32
    %dma_wait3A_205 = arith.constant 0 : i32
    %dma_wait3A_206 = arith.constant 0 : i32
    %dma_wait3A_207 = tpu.memref_slice %arg6[%dma_wait3A_204, %dma_wait3A_205, %dma_wait3A_206] : memref<2x80x64xf32, #tpu.memory_space<vmem>> -> memref<1x80x64xf32, #tpu.memory_space<vmem>>
    %dma_wait3A_208 = tpu.memref_squeeze %dma_wait3A_207 : memref<1x80x64xf32, #tpu.memory_space<vmem>> -> memref<80x64xf32, #tpu.memory_space<vmem>>
    %dma_wait3A_209 = arith.constant 640 : i32
    %dma_wait3A_210 = tpu.memref_slice %arg5[%dma_wait3A_209] : memref<1600xi32, #tpu.memory_space<vmem>> -> memref<80xi32, #tpu.memory_space<vmem>>
    %dma_wait3A_211 = arith.constant 0 : i32
    %dma_wait3A_212 = arith.constant 0 : i32
    %dma_wait3A_213 = tpu.memref_slice %arg3[%dma_wait3A_211, %dma_wait3A_212] : memref<100000x64xf32, #tpu.memory_space<hbm>> -> memref<100000x64xf32, #tpu.memory_space<hbm>>
    tpu.wait_indirect_dma semaphore(%arg7 : memref<!tpu.dma_semaphore, #tpu.memory_space<semaphore_mem>>) src(%dma_wait3A_213 : memref<100000x64xf32, #tpu.memory_space<hbm>>) dst(%dma_wait3A_208 : memref<80x64xf32, #tpu.memory_space<vmem>>)
    %add3A_214 = arith.constant 640 : i32
    %add3A_215 = arith.addi %mul3A_2, %add3A_214 : i32
    %run_scoped3A_216 = arith.constant 0 : i32
    "tpu.region"() ({
      %run_scoped3A_460 = tpu.sem_alloc : memref<!tpu.dma_semaphore, #tpu.memory_space<semaphore_mem>>
      %dma_start3A_461 = arith.constant 0 : i32
      %dma_start3A_462 = arith.constant 0 : i32
      %dma_start3A_463 = tpu.memref_slice %arg6[%run_scoped3A_216, %dma_start3A_461, %dma_start3A_462] : memref<2x80x64xf32, #tpu.memory_space<vmem>> -> memref<1x80x64xf32, #tpu.memory_space<vmem>>
      %dma_start3A_464 = tpu.memref_squeeze %dma_start3A_463 : memref<1x80x64xf32, #tpu.memory_space<vmem>> -> memref<80x64xf32, #tpu.memory_space<vmem>>
      %dma_start3A_465 = arith.constant 0 : i32
      %dma_start3A_466 = tpu.memref_slice %arg4[%add3A_215, %dma_start3A_465] : memref<51200x64xf32, #tpu.memory_space<hbm>> -> memref<80x64xf32, #tpu.memory_space<hbm>>
      %dma_start3A_467 = arith.constant 0 : i32
      %dma_start3A_468 = tpu.memref_slice %arg4[%add3A_215, %dma_start3A_467] : memref<51200x64xf32, #tpu.memory_space<hbm>> -> memref<80x64xf32, #tpu.memory_space<hbm>>
      %dma_start3A_469 = arith.constant 0 : i32
      %dma_start3A_470 = arith.constant 0 : i32
      %dma_start3A_471 = tpu.memref_slice %arg6[%run_scoped3A_216, %dma_start3A_469, %dma_start3A_470] : memref<2x80x64xf32, #tpu.memory_space<vmem>> -> memref<1x80x64xf32, #tpu.memory_space<vmem>>
      %dma_start3A_472 = tpu.memref_squeeze %dma_start3A_471 : memref<1x80x64xf32, #tpu.memory_space<vmem>> -> memref<80x64xf32, #tpu.memory_space<vmem>>
      tpu.enqueue_dma source(%dma_start3A_472 : memref<80x64xf32, #tpu.memory_space<vmem>>) target(%dma_start3A_468 : memref<80x64xf32, #tpu.memory_space<hbm>>) target_semaphore(%run_scoped3A_460 : memref<!tpu.dma_semaphore, #tpu.memory_space<semaphore_mem>>)
      %dma_wait3A_473 = arith.constant 0 : i32
      %dma_wait3A_474 = arith.constant 0 : i32
      %dma_wait3A_475 = tpu.memref_slice %arg6[%run_scoped3A_216, %dma_wait3A_473, %dma_wait3A_474] : memref<2x80x64xf32, #tpu.memory_space<vmem>> -> memref<1x80x64xf32, #tpu.memory_space<vmem>>
      %dma_wait3A_476 = tpu.memref_squeeze %dma_wait3A_475 : memref<1x80x64xf32, #tpu.memory_space<vmem>> -> memref<80x64xf32, #tpu.memory_space<vmem>>
      %dma_wait3A_477 = arith.constant 0 : i32
      %dma_wait3A_478 = tpu.memref_slice %arg4[%add3A_215, %dma_wait3A_477] : memref<51200x64xf32, #tpu.memory_space<hbm>> -> memref<80x64xf32, #tpu.memory_space<hbm>>
      %dma_wait3A_479 = arith.constant 0 : i32
      %dma_wait3A_480 = tpu.memref_slice %arg4[%add3A_215, %dma_wait3A_479] : memref<51200x64xf32, #tpu.memory_space<hbm>> -> memref<80x64xf32, #tpu.memory_space<hbm>>
      %dma_wait3A_481 = arith.constant 0 : i32
      %dma_wait3A_482 = arith.constant 0 : i32
      %dma_wait3A_483 = tpu.memref_slice %arg6[%run_scoped3A_216, %dma_wait3A_481, %dma_wait3A_482] : memref<2x80x64xf32, #tpu.memory_space<vmem>> -> memref<1x80x64xf32, #tpu.memory_space<vmem>>
      %dma_wait3A_484 = tpu.memref_squeeze %dma_wait3A_483 : memref<1x80x64xf32, #tpu.memory_space<vmem>> -> memref<80x64xf32, #tpu.memory_space<vmem>>
      tpu.wait_dma2 semaphore(%run_scoped3A_460 : memref<!tpu.dma_semaphore, #tpu.memory_space<semaphore_mem>>) src(%dma_wait3A_484 : memref<80x64xf32, #tpu.memory_space<vmem>>) dst(%dma_wait3A_480 : memref<80x64xf32, #tpu.memory_space<hbm>>)
      tpu.yield
    }) : () -> ()
    %dma_start3A_217 = arith.constant 0 : i32
    %dma_start3A_218 = arith.constant 0 : i32
    %dma_start3A_219 = arith.constant 0 : i32
    %dma_start3A_220 = tpu.memref_slice %arg6[%dma_start3A_217, %dma_start3A_218, %dma_start3A_219] : memref<2x80x64xf32, #tpu.memory_space<vmem>> -> memref<1x80x64xf32, #tpu.memory_space<vmem>>
    %dma_start3A_221 = tpu.memref_squeeze %dma_start3A_220 : memref<1x80x64xf32, #tpu.memory_space<vmem>> -> memref<80x64xf32, #tpu.memory_space<vmem>>
    %dma_start3A_222 = arith.constant 800 : i32
    %dma_start3A_223 = tpu.memref_slice %arg5[%dma_start3A_222] : memref<1600xi32, #tpu.memory_space<vmem>> -> memref<80xi32, #tpu.memory_space<vmem>>
    %dma_start3A_224 = arith.constant 0 : i32
    %dma_start3A_225 = arith.constant 0 : i32
    %dma_start3A_226 = tpu.memref_slice %arg3[%dma_start3A_224, %dma_start3A_225] : memref<100000x64xf32, #tpu.memory_space<hbm>> -> memref<100000x64xf32, #tpu.memory_space<hbm>>
    tpu.enqueue_indirect_dma source(%dma_start3A_226 : memref<100000x64xf32, #tpu.memory_space<hbm>>) target(%dma_start3A_221 : memref<80x64xf32, #tpu.memory_space<vmem>>) offsets(%dma_start3A_223 : memref<80xi32, #tpu.memory_space<vmem>>) semaphore(%arg7 : memref<!tpu.dma_semaphore, #tpu.memory_space<semaphore_mem>>)
    %dma_wait3A_227 = arith.constant 1 : i32
    %dma_wait3A_228 = arith.constant 0 : i32
    %dma_wait3A_229 = arith.constant 0 : i32
    %dma_wait3A_230 = tpu.memref_slice %arg6[%dma_wait3A_227, %dma_wait3A_228, %dma_wait3A_229] : memref<2x80x64xf32, #tpu.memory_space<vmem>> -> memref<1x80x64xf32, #tpu.memory_space<vmem>>
    %dma_wait3A_231 = tpu.memref_squeeze %dma_wait3A_230 : memref<1x80x64xf32, #tpu.memory_space<vmem>> -> memref<80x64xf32, #tpu.memory_space<vmem>>
    %dma_wait3A_232 = arith.constant 720 : i32
    %dma_wait3A_233 = tpu.memref_slice %arg5[%dma_wait3A_232] : memref<1600xi32, #tpu.memory_space<vmem>> -> memref<80xi32, #tpu.memory_space<vmem>>
    %dma_wait3A_234 = arith.constant 0 : i32
    %dma_wait3A_235 = arith.constant 0 : i32
    %dma_wait3A_236 = tpu.memref_slice %arg3[%dma_wait3A_234, %dma_wait3A_235] : memref<100000x64xf32, #tpu.memory_space<hbm>> -> memref<100000x64xf32, #tpu.memory_space<hbm>>
    tpu.wait_indirect_dma semaphore(%arg7 : memref<!tpu.dma_semaphore, #tpu.memory_space<semaphore_mem>>) src(%dma_wait3A_236 : memref<100000x64xf32, #tpu.memory_space<hbm>>) dst(%dma_wait3A_231 : memref<80x64xf32, #tpu.memory_space<vmem>>)
    %add3A_237 = arith.constant 720 : i32
    %add3A_238 = arith.addi %mul3A_2, %add3A_237 : i32
    %run_scoped3A_239 = arith.constant 1 : i32
    "tpu.region"() ({
      %run_scoped3A_460 = tpu.sem_alloc : memref<!tpu.dma_semaphore, #tpu.memory_space<semaphore_mem>>
      %dma_start3A_461 = arith.constant 0 : i32
      %dma_start3A_462 = arith.constant 0 : i32
      %dma_start3A_463 = tpu.memref_slice %arg6[%run_scoped3A_239, %dma_start3A_461, %dma_start3A_462] : memref<2x80x64xf32, #tpu.memory_space<vmem>> -> memref<1x80x64xf32, #tpu.memory_space<vmem>>
      %dma_start3A_464 = tpu.memref_squeeze %dma_start3A_463 : memref<1x80x64xf32, #tpu.memory_space<vmem>> -> memref<80x64xf32, #tpu.memory_space<vmem>>
      %dma_start3A_465 = arith.constant 0 : i32
      %dma_start3A_466 = tpu.memref_slice %arg4[%add3A_238, %dma_start3A_465] : memref<51200x64xf32, #tpu.memory_space<hbm>> -> memref<80x64xf32, #tpu.memory_space<hbm>>
      %dma_start3A_467 = arith.constant 0 : i32
      %dma_start3A_468 = tpu.memref_slice %arg4[%add3A_238, %dma_start3A_467] : memref<51200x64xf32, #tpu.memory_space<hbm>> -> memref<80x64xf32, #tpu.memory_space<hbm>>
      %dma_start3A_469 = arith.constant 0 : i32
      %dma_start3A_470 = arith.constant 0 : i32
      %dma_start3A_471 = tpu.memref_slice %arg6[%run_scoped3A_239, %dma_start3A_469, %dma_start3A_470] : memref<2x80x64xf32, #tpu.memory_space<vmem>> -> memref<1x80x64xf32, #tpu.memory_space<vmem>>
      %dma_start3A_472 = tpu.memref_squeeze %dma_start3A_471 : memref<1x80x64xf32, #tpu.memory_space<vmem>> -> memref<80x64xf32, #tpu.memory_space<vmem>>
      tpu.enqueue_dma source(%dma_start3A_472 : memref<80x64xf32, #tpu.memory_space<vmem>>) target(%dma_start3A_468 : memref<80x64xf32, #tpu.memory_space<hbm>>) target_semaphore(%run_scoped3A_460 : memref<!tpu.dma_semaphore, #tpu.memory_space<semaphore_mem>>)
      %dma_wait3A_473 = arith.constant 0 : i32
      %dma_wait3A_474 = arith.constant 0 : i32
      %dma_wait3A_475 = tpu.memref_slice %arg6[%run_scoped3A_239, %dma_wait3A_473, %dma_wait3A_474] : memref<2x80x64xf32, #tpu.memory_space<vmem>> -> memref<1x80x64xf32, #tpu.memory_space<vmem>>
      %dma_wait3A_476 = tpu.memref_squeeze %dma_wait3A_475 : memref<1x80x64xf32, #tpu.memory_space<vmem>> -> memref<80x64xf32, #tpu.memory_space<vmem>>
      %dma_wait3A_477 = arith.constant 0 : i32
      %dma_wait3A_478 = tpu.memref_slice %arg4[%add3A_238, %dma_wait3A_477] : memref<51200x64xf32, #tpu.memory_space<hbm>> -> memref<80x64xf32, #tpu.memory_space<hbm>>
      %dma_wait3A_479 = arith.constant 0 : i32
      %dma_wait3A_480 = tpu.memref_slice %arg4[%add3A_238, %dma_wait3A_479] : memref<51200x64xf32, #tpu.memory_space<hbm>> -> memref<80x64xf32, #tpu.memory_space<hbm>>
      %dma_wait3A_481 = arith.constant 0 : i32
      %dma_wait3A_482 = arith.constant 0 : i32
      %dma_wait3A_483 = tpu.memref_slice %arg6[%run_scoped3A_239, %dma_wait3A_481, %dma_wait3A_482] : memref<2x80x64xf32, #tpu.memory_space<vmem>> -> memref<1x80x64xf32, #tpu.memory_space<vmem>>
      %dma_wait3A_484 = tpu.memref_squeeze %dma_wait3A_483 : memref<1x80x64xf32, #tpu.memory_space<vmem>> -> memref<80x64xf32, #tpu.memory_space<vmem>>
      tpu.wait_dma2 semaphore(%run_scoped3A_460 : memref<!tpu.dma_semaphore, #tpu.memory_space<semaphore_mem>>) src(%dma_wait3A_484 : memref<80x64xf32, #tpu.memory_space<vmem>>) dst(%dma_wait3A_480 : memref<80x64xf32, #tpu.memory_space<hbm>>)
      tpu.yield
    }) : () -> ()
    %dma_start3A_240 = arith.constant 1 : i32
    %dma_start3A_241 = arith.constant 0 : i32
    %dma_start3A_242 = arith.constant 0 : i32
    %dma_start3A_243 = tpu.memref_slice %arg6[%dma_start3A_240, %dma_start3A_241, %dma_start3A_242] : memref<2x80x64xf32, #tpu.memory_space<vmem>> -> memref<1x80x64xf32, #tpu.memory_space<vmem>>
    %dma_start3A_244 = tpu.memref_squeeze %dma_start3A_243 : memref<1x80x64xf32, #tpu.memory_space<vmem>> -> memref<80x64xf32, #tpu.memory_space<vmem>>
    %dma_start3A_245 = arith.constant 880 : i32
    %dma_start3A_246 = tpu.memref_slice %arg5[%dma_start3A_245] : memref<1600xi32, #tpu.memory_space<vmem>> -> memref<80xi32, #tpu.memory_space<vmem>>
    %dma_start3A_247 = arith.constant 0 : i32
    %dma_start3A_248 = arith.constant 0 : i32
    %dma_start3A_249 = tpu.memref_slice %arg3[%dma_start3A_247, %dma_start3A_248] : memref<100000x64xf32, #tpu.memory_space<hbm>> -> memref<100000x64xf32, #tpu.memory_space<hbm>>
    tpu.enqueue_indirect_dma source(%dma_start3A_249 : memref<100000x64xf32, #tpu.memory_space<hbm>>) target(%dma_start3A_244 : memref<80x64xf32, #tpu.memory_space<vmem>>) offsets(%dma_start3A_246 : memref<80xi32, #tpu.memory_space<vmem>>) semaphore(%arg7 : memref<!tpu.dma_semaphore, #tpu.memory_space<semaphore_mem>>)
    %dma_wait3A_250 = arith.constant 0 : i32
    %dma_wait3A_251 = arith.constant 0 : i32
    %dma_wait3A_252 = arith.constant 0 : i32
    %dma_wait3A_253 = tpu.memref_slice %arg6[%dma_wait3A_250, %dma_wait3A_251, %dma_wait3A_252] : memref<2x80x64xf32, #tpu.memory_space<vmem>> -> memref<1x80x64xf32, #tpu.memory_space<vmem>>
    %dma_wait3A_254 = tpu.memref_squeeze %dma_wait3A_253 : memref<1x80x64xf32, #tpu.memory_space<vmem>> -> memref<80x64xf32, #tpu.memory_space<vmem>>
    %dma_wait3A_255 = arith.constant 800 : i32
    %dma_wait3A_256 = tpu.memref_slice %arg5[%dma_wait3A_255] : memref<1600xi32, #tpu.memory_space<vmem>> -> memref<80xi32, #tpu.memory_space<vmem>>
    %dma_wait3A_257 = arith.constant 0 : i32
    %dma_wait3A_258 = arith.constant 0 : i32
    %dma_wait3A_259 = tpu.memref_slice %arg3[%dma_wait3A_257, %dma_wait3A_258] : memref<100000x64xf32, #tpu.memory_space<hbm>> -> memref<100000x64xf32, #tpu.memory_space<hbm>>
    tpu.wait_indirect_dma semaphore(%arg7 : memref<!tpu.dma_semaphore, #tpu.memory_space<semaphore_mem>>) src(%dma_wait3A_259 : memref<100000x64xf32, #tpu.memory_space<hbm>>) dst(%dma_wait3A_254 : memref<80x64xf32, #tpu.memory_space<vmem>>)
    %add3A_260 = arith.constant 800 : i32
    %add3A_261 = arith.addi %mul3A_2, %add3A_260 : i32
    %run_scoped3A_262 = arith.constant 0 : i32
    "tpu.region"() ({
      %run_scoped3A_460 = tpu.sem_alloc : memref<!tpu.dma_semaphore, #tpu.memory_space<semaphore_mem>>
      %dma_start3A_461 = arith.constant 0 : i32
      %dma_start3A_462 = arith.constant 0 : i32
      %dma_start3A_463 = tpu.memref_slice %arg6[%run_scoped3A_262, %dma_start3A_461, %dma_start3A_462] : memref<2x80x64xf32, #tpu.memory_space<vmem>> -> memref<1x80x64xf32, #tpu.memory_space<vmem>>
      %dma_start3A_464 = tpu.memref_squeeze %dma_start3A_463 : memref<1x80x64xf32, #tpu.memory_space<vmem>> -> memref<80x64xf32, #tpu.memory_space<vmem>>
      %dma_start3A_465 = arith.constant 0 : i32
      %dma_start3A_466 = tpu.memref_slice %arg4[%add3A_261, %dma_start3A_465] : memref<51200x64xf32, #tpu.memory_space<hbm>> -> memref<80x64xf32, #tpu.memory_space<hbm>>
      %dma_start3A_467 = arith.constant 0 : i32
      %dma_start3A_468 = tpu.memref_slice %arg4[%add3A_261, %dma_start3A_467] : memref<51200x64xf32, #tpu.memory_space<hbm>> -> memref<80x64xf32, #tpu.memory_space<hbm>>
      %dma_start3A_469 = arith.constant 0 : i32
      %dma_start3A_470 = arith.constant 0 : i32
      %dma_start3A_471 = tpu.memref_slice %arg6[%run_scoped3A_262, %dma_start3A_469, %dma_start3A_470] : memref<2x80x64xf32, #tpu.memory_space<vmem>> -> memref<1x80x64xf32, #tpu.memory_space<vmem>>
      %dma_start3A_472 = tpu.memref_squeeze %dma_start3A_471 : memref<1x80x64xf32, #tpu.memory_space<vmem>> -> memref<80x64xf32, #tpu.memory_space<vmem>>
      tpu.enqueue_dma source(%dma_start3A_472 : memref<80x64xf32, #tpu.memory_space<vmem>>) target(%dma_start3A_468 : memref<80x64xf32, #tpu.memory_space<hbm>>) target_semaphore(%run_scoped3A_460 : memref<!tpu.dma_semaphore, #tpu.memory_space<semaphore_mem>>)
      %dma_wait3A_473 = arith.constant 0 : i32
      %dma_wait3A_474 = arith.constant 0 : i32
      %dma_wait3A_475 = tpu.memref_slice %arg6[%run_scoped3A_262, %dma_wait3A_473, %dma_wait3A_474] : memref<2x80x64xf32, #tpu.memory_space<vmem>> -> memref<1x80x64xf32, #tpu.memory_space<vmem>>
      %dma_wait3A_476 = tpu.memref_squeeze %dma_wait3A_475 : memref<1x80x64xf32, #tpu.memory_space<vmem>> -> memref<80x64xf32, #tpu.memory_space<vmem>>
      %dma_wait3A_477 = arith.constant 0 : i32
      %dma_wait3A_478 = tpu.memref_slice %arg4[%add3A_261, %dma_wait3A_477] : memref<51200x64xf32, #tpu.memory_space<hbm>> -> memref<80x64xf32, #tpu.memory_space<hbm>>
      %dma_wait3A_479 = arith.constant 0 : i32
      %dma_wait3A_480 = tpu.memref_slice %arg4[%add3A_261, %dma_wait3A_479] : memref<51200x64xf32, #tpu.memory_space<hbm>> -> memref<80x64xf32, #tpu.memory_space<hbm>>
      %dma_wait3A_481 = arith.constant 0 : i32
      %dma_wait3A_482 = arith.constant 0 : i32
      %dma_wait3A_483 = tpu.memref_slice %arg6[%run_scoped3A_262, %dma_wait3A_481, %dma_wait3A_482] : memref<2x80x64xf32, #tpu.memory_space<vmem>> -> memref<1x80x64xf32, #tpu.memory_space<vmem>>
      %dma_wait3A_484 = tpu.memref_squeeze %dma_wait3A_483 : memref<1x80x64xf32, #tpu.memory_space<vmem>> -> memref<80x64xf32, #tpu.memory_space<vmem>>
      tpu.wait_dma2 semaphore(%run_scoped3A_460 : memref<!tpu.dma_semaphore, #tpu.memory_space<semaphore_mem>>) src(%dma_wait3A_484 : memref<80x64xf32, #tpu.memory_space<vmem>>) dst(%dma_wait3A_480 : memref<80x64xf32, #tpu.memory_space<hbm>>)
      tpu.yield
    }) : () -> ()
    %dma_start3A_263 = arith.constant 0 : i32
    %dma_start3A_264 = arith.constant 0 : i32
    %dma_start3A_265 = arith.constant 0 : i32
    %dma_start3A_266 = tpu.memref_slice %arg6[%dma_start3A_263, %dma_start3A_264, %dma_start3A_265] : memref<2x80x64xf32, #tpu.memory_space<vmem>> -> memref<1x80x64xf32, #tpu.memory_space<vmem>>
    %dma_start3A_267 = tpu.memref_squeeze %dma_start3A_266 : memref<1x80x64xf32, #tpu.memory_space<vmem>> -> memref<80x64xf32, #tpu.memory_space<vmem>>
    %dma_start3A_268 = arith.constant 960 : i32
    %dma_start3A_269 = tpu.memref_slice %arg5[%dma_start3A_268] : memref<1600xi32, #tpu.memory_space<vmem>> -> memref<80xi32, #tpu.memory_space<vmem>>
    %dma_start3A_270 = arith.constant 0 : i32
    %dma_start3A_271 = arith.constant 0 : i32
    %dma_start3A_272 = tpu.memref_slice %arg3[%dma_start3A_270, %dma_start3A_271] : memref<100000x64xf32, #tpu.memory_space<hbm>> -> memref<100000x64xf32, #tpu.memory_space<hbm>>
    tpu.enqueue_indirect_dma source(%dma_start3A_272 : memref<100000x64xf32, #tpu.memory_space<hbm>>) target(%dma_start3A_267 : memref<80x64xf32, #tpu.memory_space<vmem>>) offsets(%dma_start3A_269 : memref<80xi32, #tpu.memory_space<vmem>>) semaphore(%arg7 : memref<!tpu.dma_semaphore, #tpu.memory_space<semaphore_mem>>)
    %dma_wait3A_273 = arith.constant 1 : i32
    %dma_wait3A_274 = arith.constant 0 : i32
    %dma_wait3A_275 = arith.constant 0 : i32
    %dma_wait3A_276 = tpu.memref_slice %arg6[%dma_wait3A_273, %dma_wait3A_274, %dma_wait3A_275] : memref<2x80x64xf32, #tpu.memory_space<vmem>> -> memref<1x80x64xf32, #tpu.memory_space<vmem>>
    %dma_wait3A_277 = tpu.memref_squeeze %dma_wait3A_276 : memref<1x80x64xf32, #tpu.memory_space<vmem>> -> memref<80x64xf32, #tpu.memory_space<vmem>>
    %dma_wait3A_278 = arith.constant 880 : i32
    %dma_wait3A_279 = tpu.memref_slice %arg5[%dma_wait3A_278] : memref<1600xi32, #tpu.memory_space<vmem>> -> memref<80xi32, #tpu.memory_space<vmem>>
    %dma_wait3A_280 = arith.constant 0 : i32
    %dma_wait3A_281 = arith.constant 0 : i32
    %dma_wait3A_282 = tpu.memref_slice %arg3[%dma_wait3A_280, %dma_wait3A_281] : memref<100000x64xf32, #tpu.memory_space<hbm>> -> memref<100000x64xf32, #tpu.memory_space<hbm>>
    tpu.wait_indirect_dma semaphore(%arg7 : memref<!tpu.dma_semaphore, #tpu.memory_space<semaphore_mem>>) src(%dma_wait3A_282 : memref<100000x64xf32, #tpu.memory_space<hbm>>) dst(%dma_wait3A_277 : memref<80x64xf32, #tpu.memory_space<vmem>>)
    %add3A_283 = arith.constant 880 : i32
    %add3A_284 = arith.addi %mul3A_2, %add3A_283 : i32
    %run_scoped3A_285 = arith.constant 1 : i32
    "tpu.region"() ({
      %run_scoped3A_460 = tpu.sem_alloc : memref<!tpu.dma_semaphore, #tpu.memory_space<semaphore_mem>>
      %dma_start3A_461 = arith.constant 0 : i32
      %dma_start3A_462 = arith.constant 0 : i32
      %dma_start3A_463 = tpu.memref_slice %arg6[%run_scoped3A_285, %dma_start3A_461, %dma_start3A_462] : memref<2x80x64xf32, #tpu.memory_space<vmem>> -> memref<1x80x64xf32, #tpu.memory_space<vmem>>
      %dma_start3A_464 = tpu.memref_squeeze %dma_start3A_463 : memref<1x80x64xf32, #tpu.memory_space<vmem>> -> memref<80x64xf32, #tpu.memory_space<vmem>>
      %dma_start3A_465 = arith.constant 0 : i32
      %dma_start3A_466 = tpu.memref_slice %arg4[%add3A_284, %dma_start3A_465] : memref<51200x64xf32, #tpu.memory_space<hbm>> -> memref<80x64xf32, #tpu.memory_space<hbm>>
      %dma_start3A_467 = arith.constant 0 : i32
      %dma_start3A_468 = tpu.memref_slice %arg4[%add3A_284, %dma_start3A_467] : memref<51200x64xf32, #tpu.memory_space<hbm>> -> memref<80x64xf32, #tpu.memory_space<hbm>>
      %dma_start3A_469 = arith.constant 0 : i32
      %dma_start3A_470 = arith.constant 0 : i32
      %dma_start3A_471 = tpu.memref_slice %arg6[%run_scoped3A_285, %dma_start3A_469, %dma_start3A_470] : memref<2x80x64xf32, #tpu.memory_space<vmem>> -> memref<1x80x64xf32, #tpu.memory_space<vmem>>
      %dma_start3A_472 = tpu.memref_squeeze %dma_start3A_471 : memref<1x80x64xf32, #tpu.memory_space<vmem>> -> memref<80x64xf32, #tpu.memory_space<vmem>>
      tpu.enqueue_dma source(%dma_start3A_472 : memref<80x64xf32, #tpu.memory_space<vmem>>) target(%dma_start3A_468 : memref<80x64xf32, #tpu.memory_space<hbm>>) target_semaphore(%run_scoped3A_460 : memref<!tpu.dma_semaphore, #tpu.memory_space<semaphore_mem>>)
      %dma_wait3A_473 = arith.constant 0 : i32
      %dma_wait3A_474 = arith.constant 0 : i32
      %dma_wait3A_475 = tpu.memref_slice %arg6[%run_scoped3A_285, %dma_wait3A_473, %dma_wait3A_474] : memref<2x80x64xf32, #tpu.memory_space<vmem>> -> memref<1x80x64xf32, #tpu.memory_space<vmem>>
      %dma_wait3A_476 = tpu.memref_squeeze %dma_wait3A_475 : memref<1x80x64xf32, #tpu.memory_space<vmem>> -> memref<80x64xf32, #tpu.memory_space<vmem>>
      %dma_wait3A_477 = arith.constant 0 : i32
      %dma_wait3A_478 = tpu.memref_slice %arg4[%add3A_284, %dma_wait3A_477] : memref<51200x64xf32, #tpu.memory_space<hbm>> -> memref<80x64xf32, #tpu.memory_space<hbm>>
      %dma_wait3A_479 = arith.constant 0 : i32
      %dma_wait3A_480 = tpu.memref_slice %arg4[%add3A_284, %dma_wait3A_479] : memref<51200x64xf32, #tpu.memory_space<hbm>> -> memref<80x64xf32, #tpu.memory_space<hbm>>
      %dma_wait3A_481 = arith.constant 0 : i32
      %dma_wait3A_482 = arith.constant 0 : i32
      %dma_wait3A_483 = tpu.memref_slice %arg6[%run_scoped3A_285, %dma_wait3A_481, %dma_wait3A_482] : memref<2x80x64xf32, #tpu.memory_space<vmem>> -> memref<1x80x64xf32, #tpu.memory_space<vmem>>
      %dma_wait3A_484 = tpu.memref_squeeze %dma_wait3A_483 : memref<1x80x64xf32, #tpu.memory_space<vmem>> -> memref<80x64xf32, #tpu.memory_space<vmem>>
      tpu.wait_dma2 semaphore(%run_scoped3A_460 : memref<!tpu.dma_semaphore, #tpu.memory_space<semaphore_mem>>) src(%dma_wait3A_484 : memref<80x64xf32, #tpu.memory_space<vmem>>) dst(%dma_wait3A_480 : memref<80x64xf32, #tpu.memory_space<hbm>>)
      tpu.yield
    }) : () -> ()
    %dma_start3A_286 = arith.constant 1 : i32
    %dma_start3A_287 = arith.constant 0 : i32
    %dma_start3A_288 = arith.constant 0 : i32
    %dma_start3A_289 = tpu.memref_slice %arg6[%dma_start3A_286, %dma_start3A_287, %dma_start3A_288] : memref<2x80x64xf32, #tpu.memory_space<vmem>> -> memref<1x80x64xf32, #tpu.memory_space<vmem>>
    %dma_start3A_290 = tpu.memref_squeeze %dma_start3A_289 : memref<1x80x64xf32, #tpu.memory_space<vmem>> -> memref<80x64xf32, #tpu.memory_space<vmem>>
    %dma_start3A_291 = arith.constant 1040 : i32
    %dma_start3A_292 = tpu.memref_slice %arg5[%dma_start3A_291] : memref<1600xi32, #tpu.memory_space<vmem>> -> memref<80xi32, #tpu.memory_space<vmem>>
    %dma_start3A_293 = arith.constant 0 : i32
    %dma_start3A_294 = arith.constant 0 : i32
    %dma_start3A_295 = tpu.memref_slice %arg3[%dma_start3A_293, %dma_start3A_294] : memref<100000x64xf32, #tpu.memory_space<hbm>> -> memref<100000x64xf32, #tpu.memory_space<hbm>>
    tpu.enqueue_indirect_dma source(%dma_start3A_295 : memref<100000x64xf32, #tpu.memory_space<hbm>>) target(%dma_start3A_290 : memref<80x64xf32, #tpu.memory_space<vmem>>) offsets(%dma_start3A_292 : memref<80xi32, #tpu.memory_space<vmem>>) semaphore(%arg7 : memref<!tpu.dma_semaphore, #tpu.memory_space<semaphore_mem>>)
    %dma_wait3A_296 = arith.constant 0 : i32
    %dma_wait3A_297 = arith.constant 0 : i32
    %dma_wait3A_298 = arith.constant 0 : i32
    %dma_wait3A_299 = tpu.memref_slice %arg6[%dma_wait3A_296, %dma_wait3A_297, %dma_wait3A_298] : memref<2x80x64xf32, #tpu.memory_space<vmem>> -> memref<1x80x64xf32, #tpu.memory_space<vmem>>
    %dma_wait3A_300 = tpu.memref_squeeze %dma_wait3A_299 : memref<1x80x64xf32, #tpu.memory_space<vmem>> -> memref<80x64xf32, #tpu.memory_space<vmem>>
    %dma_wait3A_301 = arith.constant 960 : i32
    %dma_wait3A_302 = tpu.memref_slice %arg5[%dma_wait3A_301] : memref<1600xi32, #tpu.memory_space<vmem>> -> memref<80xi32, #tpu.memory_space<vmem>>
    %dma_wait3A_303 = arith.constant 0 : i32
    %dma_wait3A_304 = arith.constant 0 : i32
    %dma_wait3A_305 = tpu.memref_slice %arg3[%dma_wait3A_303, %dma_wait3A_304] : memref<100000x64xf32, #tpu.memory_space<hbm>> -> memref<100000x64xf32, #tpu.memory_space<hbm>>
    tpu.wait_indirect_dma semaphore(%arg7 : memref<!tpu.dma_semaphore, #tpu.memory_space<semaphore_mem>>) src(%dma_wait3A_305 : memref<100000x64xf32, #tpu.memory_space<hbm>>) dst(%dma_wait3A_300 : memref<80x64xf32, #tpu.memory_space<vmem>>)
    %add3A_306 = arith.constant 960 : i32
    %add3A_307 = arith.addi %mul3A_2, %add3A_306 : i32
    %run_scoped3A_308 = arith.constant 0 : i32
    "tpu.region"() ({
      %run_scoped3A_460 = tpu.sem_alloc : memref<!tpu.dma_semaphore, #tpu.memory_space<semaphore_mem>>
      %dma_start3A_461 = arith.constant 0 : i32
      %dma_start3A_462 = arith.constant 0 : i32
      %dma_start3A_463 = tpu.memref_slice %arg6[%run_scoped3A_308, %dma_start3A_461, %dma_start3A_462] : memref<2x80x64xf32, #tpu.memory_space<vmem>> -> memref<1x80x64xf32, #tpu.memory_space<vmem>>
      %dma_start3A_464 = tpu.memref_squeeze %dma_start3A_463 : memref<1x80x64xf32, #tpu.memory_space<vmem>> -> memref<80x64xf32, #tpu.memory_space<vmem>>
      %dma_start3A_465 = arith.constant 0 : i32
      %dma_start3A_466 = tpu.memref_slice %arg4[%add3A_307, %dma_start3A_465] : memref<51200x64xf32, #tpu.memory_space<hbm>> -> memref<80x64xf32, #tpu.memory_space<hbm>>
      %dma_start3A_467 = arith.constant 0 : i32
      %dma_start3A_468 = tpu.memref_slice %arg4[%add3A_307, %dma_start3A_467] : memref<51200x64xf32, #tpu.memory_space<hbm>> -> memref<80x64xf32, #tpu.memory_space<hbm>>
      %dma_start3A_469 = arith.constant 0 : i32
      %dma_start3A_470 = arith.constant 0 : i32
      %dma_start3A_471 = tpu.memref_slice %arg6[%run_scoped3A_308, %dma_start3A_469, %dma_start3A_470] : memref<2x80x64xf32, #tpu.memory_space<vmem>> -> memref<1x80x64xf32, #tpu.memory_space<vmem>>
      %dma_start3A_472 = tpu.memref_squeeze %dma_start3A_471 : memref<1x80x64xf32, #tpu.memory_space<vmem>> -> memref<80x64xf32, #tpu.memory_space<vmem>>
      tpu.enqueue_dma source(%dma_start3A_472 : memref<80x64xf32, #tpu.memory_space<vmem>>) target(%dma_start3A_468 : memref<80x64xf32, #tpu.memory_space<hbm>>) target_semaphore(%run_scoped3A_460 : memref<!tpu.dma_semaphore, #tpu.memory_space<semaphore_mem>>)
      %dma_wait3A_473 = arith.constant 0 : i32
      %dma_wait3A_474 = arith.constant 0 : i32
      %dma_wait3A_475 = tpu.memref_slice %arg6[%run_scoped3A_308, %dma_wait3A_473, %dma_wait3A_474] : memref<2x80x64xf32, #tpu.memory_space<vmem>> -> memref<1x80x64xf32, #tpu.memory_space<vmem>>
      %dma_wait3A_476 = tpu.memref_squeeze %dma_wait3A_475 : memref<1x80x64xf32, #tpu.memory_space<vmem>> -> memref<80x64xf32, #tpu.memory_space<vmem>>
      %dma_wait3A_477 = arith.constant 0 : i32
      %dma_wait3A_478 = tpu.memref_slice %arg4[%add3A_307, %dma_wait3A_477] : memref<51200x64xf32, #tpu.memory_space<hbm>> -> memref<80x64xf32, #tpu.memory_space<hbm>>
      %dma_wait3A_479 = arith.constant 0 : i32
      %dma_wait3A_480 = tpu.memref_slice %arg4[%add3A_307, %dma_wait3A_479] : memref<51200x64xf32, #tpu.memory_space<hbm>> -> memref<80x64xf32, #tpu.memory_space<hbm>>
      %dma_wait3A_481 = arith.constant 0 : i32
      %dma_wait3A_482 = arith.constant 0 : i32
      %dma_wait3A_483 = tpu.memref_slice %arg6[%run_scoped3A_308, %dma_wait3A_481, %dma_wait3A_482] : memref<2x80x64xf32, #tpu.memory_space<vmem>> -> memref<1x80x64xf32, #tpu.memory_space<vmem>>
      %dma_wait3A_484 = tpu.memref_squeeze %dma_wait3A_483 : memref<1x80x64xf32, #tpu.memory_space<vmem>> -> memref<80x64xf32, #tpu.memory_space<vmem>>
      tpu.wait_dma2 semaphore(%run_scoped3A_460 : memref<!tpu.dma_semaphore, #tpu.memory_space<semaphore_mem>>) src(%dma_wait3A_484 : memref<80x64xf32, #tpu.memory_space<vmem>>) dst(%dma_wait3A_480 : memref<80x64xf32, #tpu.memory_space<hbm>>)
      tpu.yield
    }) : () -> ()
    %dma_start3A_309 = arith.constant 0 : i32
    %dma_start3A_310 = arith.constant 0 : i32
    %dma_start3A_311 = arith.constant 0 : i32
    %dma_start3A_312 = tpu.memref_slice %arg6[%dma_start3A_309, %dma_start3A_310, %dma_start3A_311] : memref<2x80x64xf32, #tpu.memory_space<vmem>> -> memref<1x80x64xf32, #tpu.memory_space<vmem>>
    %dma_start3A_313 = tpu.memref_squeeze %dma_start3A_312 : memref<1x80x64xf32, #tpu.memory_space<vmem>> -> memref<80x64xf32, #tpu.memory_space<vmem>>
    %dma_start3A_314 = arith.constant 1120 : i32
    %dma_start3A_315 = tpu.memref_slice %arg5[%dma_start3A_314] : memref<1600xi32, #tpu.memory_space<vmem>> -> memref<80xi32, #tpu.memory_space<vmem>>
    %dma_start3A_316 = arith.constant 0 : i32
    %dma_start3A_317 = arith.constant 0 : i32
    %dma_start3A_318 = tpu.memref_slice %arg3[%dma_start3A_316, %dma_start3A_317] : memref<100000x64xf32, #tpu.memory_space<hbm>> -> memref<100000x64xf32, #tpu.memory_space<hbm>>
    tpu.enqueue_indirect_dma source(%dma_start3A_318 : memref<100000x64xf32, #tpu.memory_space<hbm>>) target(%dma_start3A_313 : memref<80x64xf32, #tpu.memory_space<vmem>>) offsets(%dma_start3A_315 : memref<80xi32, #tpu.memory_space<vmem>>) semaphore(%arg7 : memref<!tpu.dma_semaphore, #tpu.memory_space<semaphore_mem>>)
    %dma_wait3A_319 = arith.constant 1 : i32
    %dma_wait3A_320 = arith.constant 0 : i32
    %dma_wait3A_321 = arith.constant 0 : i32
    %dma_wait3A_322 = tpu.memref_slice %arg6[%dma_wait3A_319, %dma_wait3A_320, %dma_wait3A_321] : memref<2x80x64xf32, #tpu.memory_space<vmem>> -> memref<1x80x64xf32, #tpu.memory_space<vmem>>
    %dma_wait3A_323 = tpu.memref_squeeze %dma_wait3A_322 : memref<1x80x64xf32, #tpu.memory_space<vmem>> -> memref<80x64xf32, #tpu.memory_space<vmem>>
    %dma_wait3A_324 = arith.constant 1040 : i32
    %dma_wait3A_325 = tpu.memref_slice %arg5[%dma_wait3A_324] : memref<1600xi32, #tpu.memory_space<vmem>> -> memref<80xi32, #tpu.memory_space<vmem>>
    %dma_wait3A_326 = arith.constant 0 : i32
    %dma_wait3A_327 = arith.constant 0 : i32
    %dma_wait3A_328 = tpu.memref_slice %arg3[%dma_wait3A_326, %dma_wait3A_327] : memref<100000x64xf32, #tpu.memory_space<hbm>> -> memref<100000x64xf32, #tpu.memory_space<hbm>>
    tpu.wait_indirect_dma semaphore(%arg7 : memref<!tpu.dma_semaphore, #tpu.memory_space<semaphore_mem>>) src(%dma_wait3A_328 : memref<100000x64xf32, #tpu.memory_space<hbm>>) dst(%dma_wait3A_323 : memref<80x64xf32, #tpu.memory_space<vmem>>)
    %add3A_329 = arith.constant 1040 : i32
    %add3A_330 = arith.addi %mul3A_2, %add3A_329 : i32
    %run_scoped3A_331 = arith.constant 1 : i32
    "tpu.region"() ({
      %run_scoped3A_460 = tpu.sem_alloc : memref<!tpu.dma_semaphore, #tpu.memory_space<semaphore_mem>>
      %dma_start3A_461 = arith.constant 0 : i32
      %dma_start3A_462 = arith.constant 0 : i32
      %dma_start3A_463 = tpu.memref_slice %arg6[%run_scoped3A_331, %dma_start3A_461, %dma_start3A_462] : memref<2x80x64xf32, #tpu.memory_space<vmem>> -> memref<1x80x64xf32, #tpu.memory_space<vmem>>
      %dma_start3A_464 = tpu.memref_squeeze %dma_start3A_463 : memref<1x80x64xf32, #tpu.memory_space<vmem>> -> memref<80x64xf32, #tpu.memory_space<vmem>>
      %dma_start3A_465 = arith.constant 0 : i32
      %dma_start3A_466 = tpu.memref_slice %arg4[%add3A_330, %dma_start3A_465] : memref<51200x64xf32, #tpu.memory_space<hbm>> -> memref<80x64xf32, #tpu.memory_space<hbm>>
      %dma_start3A_467 = arith.constant 0 : i32
      %dma_start3A_468 = tpu.memref_slice %arg4[%add3A_330, %dma_start3A_467] : memref<51200x64xf32, #tpu.memory_space<hbm>> -> memref<80x64xf32, #tpu.memory_space<hbm>>
      %dma_start3A_469 = arith.constant 0 : i32
      %dma_start3A_470 = arith.constant 0 : i32
      %dma_start3A_471 = tpu.memref_slice %arg6[%run_scoped3A_331, %dma_start3A_469, %dma_start3A_470] : memref<2x80x64xf32, #tpu.memory_space<vmem>> -> memref<1x80x64xf32, #tpu.memory_space<vmem>>
      %dma_start3A_472 = tpu.memref_squeeze %dma_start3A_471 : memref<1x80x64xf32, #tpu.memory_space<vmem>> -> memref<80x64xf32, #tpu.memory_space<vmem>>
      tpu.enqueue_dma source(%dma_start3A_472 : memref<80x64xf32, #tpu.memory_space<vmem>>) target(%dma_start3A_468 : memref<80x64xf32, #tpu.memory_space<hbm>>) target_semaphore(%run_scoped3A_460 : memref<!tpu.dma_semaphore, #tpu.memory_space<semaphore_mem>>)
      %dma_wait3A_473 = arith.constant 0 : i32
      %dma_wait3A_474 = arith.constant 0 : i32
      %dma_wait3A_475 = tpu.memref_slice %arg6[%run_scoped3A_331, %dma_wait3A_473, %dma_wait3A_474] : memref<2x80x64xf32, #tpu.memory_space<vmem>> -> memref<1x80x64xf32, #tpu.memory_space<vmem>>
      %dma_wait3A_476 = tpu.memref_squeeze %dma_wait3A_475 : memref<1x80x64xf32, #tpu.memory_space<vmem>> -> memref<80x64xf32, #tpu.memory_space<vmem>>
      %dma_wait3A_477 = arith.constant 0 : i32
      %dma_wait3A_478 = tpu.memref_slice %arg4[%add3A_330, %dma_wait3A_477] : memref<51200x64xf32, #tpu.memory_space<hbm>> -> memref<80x64xf32, #tpu.memory_space<hbm>>
      %dma_wait3A_479 = arith.constant 0 : i32
      %dma_wait3A_480 = tpu.memref_slice %arg4[%add3A_330, %dma_wait3A_479] : memref<51200x64xf32, #tpu.memory_space<hbm>> -> memref<80x64xf32, #tpu.memory_space<hbm>>
      %dma_wait3A_481 = arith.constant 0 : i32
      %dma_wait3A_482 = arith.constant 0 : i32
      %dma_wait3A_483 = tpu.memref_slice %arg6[%run_scoped3A_331, %dma_wait3A_481, %dma_wait3A_482] : memref<2x80x64xf32, #tpu.memory_space<vmem>> -> memref<1x80x64xf32, #tpu.memory_space<vmem>>
      %dma_wait3A_484 = tpu.memref_squeeze %dma_wait3A_483 : memref<1x80x64xf32, #tpu.memory_space<vmem>> -> memref<80x64xf32, #tpu.memory_space<vmem>>
      tpu.wait_dma2 semaphore(%run_scoped3A_460 : memref<!tpu.dma_semaphore, #tpu.memory_space<semaphore_mem>>) src(%dma_wait3A_484 : memref<80x64xf32, #tpu.memory_space<vmem>>) dst(%dma_wait3A_480 : memref<80x64xf32, #tpu.memory_space<hbm>>)
      tpu.yield
    }) : () -> ()
    %dma_start3A_332 = arith.constant 1 : i32
    %dma_start3A_333 = arith.constant 0 : i32
    %dma_start3A_334 = arith.constant 0 : i32
    %dma_start3A_335 = tpu.memref_slice %arg6[%dma_start3A_332, %dma_start3A_333, %dma_start3A_334] : memref<2x80x64xf32, #tpu.memory_space<vmem>> -> memref<1x80x64xf32, #tpu.memory_space<vmem>>
    %dma_start3A_336 = tpu.memref_squeeze %dma_start3A_335 : memref<1x80x64xf32, #tpu.memory_space<vmem>> -> memref<80x64xf32, #tpu.memory_space<vmem>>
    %dma_start3A_337 = arith.constant 1200 : i32
    %dma_start3A_338 = tpu.memref_slice %arg5[%dma_start3A_337] : memref<1600xi32, #tpu.memory_space<vmem>> -> memref<80xi32, #tpu.memory_space<vmem>>
    %dma_start3A_339 = arith.constant 0 : i32
    %dma_start3A_340 = arith.constant 0 : i32
    %dma_start3A_341 = tpu.memref_slice %arg3[%dma_start3A_339, %dma_start3A_340] : memref<100000x64xf32, #tpu.memory_space<hbm>> -> memref<100000x64xf32, #tpu.memory_space<hbm>>
    tpu.enqueue_indirect_dma source(%dma_start3A_341 : memref<100000x64xf32, #tpu.memory_space<hbm>>) target(%dma_start3A_336 : memref<80x64xf32, #tpu.memory_space<vmem>>) offsets(%dma_start3A_338 : memref<80xi32, #tpu.memory_space<vmem>>) semaphore(%arg7 : memref<!tpu.dma_semaphore, #tpu.memory_space<semaphore_mem>>)
    %dma_wait3A_342 = arith.constant 0 : i32
    %dma_wait3A_343 = arith.constant 0 : i32
    %dma_wait3A_344 = arith.constant 0 : i32
    %dma_wait3A_345 = tpu.memref_slice %arg6[%dma_wait3A_342, %dma_wait3A_343, %dma_wait3A_344] : memref<2x80x64xf32, #tpu.memory_space<vmem>> -> memref<1x80x64xf32, #tpu.memory_space<vmem>>
    %dma_wait3A_346 = tpu.memref_squeeze %dma_wait3A_345 : memref<1x80x64xf32, #tpu.memory_space<vmem>> -> memref<80x64xf32, #tpu.memory_space<vmem>>
    %dma_wait3A_347 = arith.constant 1120 : i32
    %dma_wait3A_348 = tpu.memref_slice %arg5[%dma_wait3A_347] : memref<1600xi32, #tpu.memory_space<vmem>> -> memref<80xi32, #tpu.memory_space<vmem>>
    %dma_wait3A_349 = arith.constant 0 : i32
    %dma_wait3A_350 = arith.constant 0 : i32
    %dma_wait3A_351 = tpu.memref_slice %arg3[%dma_wait3A_349, %dma_wait3A_350] : memref<100000x64xf32, #tpu.memory_space<hbm>> -> memref<100000x64xf32, #tpu.memory_space<hbm>>
    tpu.wait_indirect_dma semaphore(%arg7 : memref<!tpu.dma_semaphore, #tpu.memory_space<semaphore_mem>>) src(%dma_wait3A_351 : memref<100000x64xf32, #tpu.memory_space<hbm>>) dst(%dma_wait3A_346 : memref<80x64xf32, #tpu.memory_space<vmem>>)
    %add3A_352 = arith.constant 1120 : i32
    %add3A_353 = arith.addi %mul3A_2, %add3A_352 : i32
    %run_scoped3A_354 = arith.constant 0 : i32
    "tpu.region"() ({
      %run_scoped3A_460 = tpu.sem_alloc : memref<!tpu.dma_semaphore, #tpu.memory_space<semaphore_mem>>
      %dma_start3A_461 = arith.constant 0 : i32
      %dma_start3A_462 = arith.constant 0 : i32
      %dma_start3A_463 = tpu.memref_slice %arg6[%run_scoped3A_354, %dma_start3A_461, %dma_start3A_462] : memref<2x80x64xf32, #tpu.memory_space<vmem>> -> memref<1x80x64xf32, #tpu.memory_space<vmem>>
      %dma_start3A_464 = tpu.memref_squeeze %dma_start3A_463 : memref<1x80x64xf32, #tpu.memory_space<vmem>> -> memref<80x64xf32, #tpu.memory_space<vmem>>
      %dma_start3A_465 = arith.constant 0 : i32
      %dma_start3A_466 = tpu.memref_slice %arg4[%add3A_353, %dma_start3A_465] : memref<51200x64xf32, #tpu.memory_space<hbm>> -> memref<80x64xf32, #tpu.memory_space<hbm>>
      %dma_start3A_467 = arith.constant 0 : i32
      %dma_start3A_468 = tpu.memref_slice %arg4[%add3A_353, %dma_start3A_467] : memref<51200x64xf32, #tpu.memory_space<hbm>> -> memref<80x64xf32, #tpu.memory_space<hbm>>
      %dma_start3A_469 = arith.constant 0 : i32
      %dma_start3A_470 = arith.constant 0 : i32
      %dma_start3A_471 = tpu.memref_slice %arg6[%run_scoped3A_354, %dma_start3A_469, %dma_start3A_470] : memref<2x80x64xf32, #tpu.memory_space<vmem>> -> memref<1x80x64xf32, #tpu.memory_space<vmem>>
      %dma_start3A_472 = tpu.memref_squeeze %dma_start3A_471 : memref<1x80x64xf32, #tpu.memory_space<vmem>> -> memref<80x64xf32, #tpu.memory_space<vmem>>
      tpu.enqueue_dma source(%dma_start3A_472 : memref<80x64xf32, #tpu.memory_space<vmem>>) target(%dma_start3A_468 : memref<80x64xf32, #tpu.memory_space<hbm>>) target_semaphore(%run_scoped3A_460 : memref<!tpu.dma_semaphore, #tpu.memory_space<semaphore_mem>>)
      %dma_wait3A_473 = arith.constant 0 : i32
      %dma_wait3A_474 = arith.constant 0 : i32
      %dma_wait3A_475 = tpu.memref_slice %arg6[%run_scoped3A_354, %dma_wait3A_473, %dma_wait3A_474] : memref<2x80x64xf32, #tpu.memory_space<vmem>> -> memref<1x80x64xf32, #tpu.memory_space<vmem>>
      %dma_wait3A_476 = tpu.memref_squeeze %dma_wait3A_475 : memref<1x80x64xf32, #tpu.memory_space<vmem>> -> memref<80x64xf32, #tpu.memory_space<vmem>>
      %dma_wait3A_477 = arith.constant 0 : i32
      %dma_wait3A_478 = tpu.memref_slice %arg4[%add3A_353, %dma_wait3A_477] : memref<51200x64xf32, #tpu.memory_space<hbm>> -> memref<80x64xf32, #tpu.memory_space<hbm>>
      %dma_wait3A_479 = arith.constant 0 : i32
      %dma_wait3A_480 = tpu.memref_slice %arg4[%add3A_353, %dma_wait3A_479] : memref<51200x64xf32, #tpu.memory_space<hbm>> -> memref<80x64xf32, #tpu.memory_space<hbm>>
      %dma_wait3A_481 = arith.constant 0 : i32
      %dma_wait3A_482 = arith.constant 0 : i32
      %dma_wait3A_483 = tpu.memref_slice %arg6[%run_scoped3A_354, %dma_wait3A_481, %dma_wait3A_482] : memref<2x80x64xf32, #tpu.memory_space<vmem>> -> memref<1x80x64xf32, #tpu.memory_space<vmem>>
      %dma_wait3A_484 = tpu.memref_squeeze %dma_wait3A_483 : memref<1x80x64xf32, #tpu.memory_space<vmem>> -> memref<80x64xf32, #tpu.memory_space<vmem>>
      tpu.wait_dma2 semaphore(%run_scoped3A_460 : memref<!tpu.dma_semaphore, #tpu.memory_space<semaphore_mem>>) src(%dma_wait3A_484 : memref<80x64xf32, #tpu.memory_space<vmem>>) dst(%dma_wait3A_480 : memref<80x64xf32, #tpu.memory_space<hbm>>)
      tpu.yield
    }) : () -> ()
    %dma_start3A_355 = arith.constant 0 : i32
    %dma_start3A_356 = arith.constant 0 : i32
    %dma_start3A_357 = arith.constant 0 : i32
    %dma_start3A_358 = tpu.memref_slice %arg6[%dma_start3A_355, %dma_start3A_356, %dma_start3A_357] : memref<2x80x64xf32, #tpu.memory_space<vmem>> -> memref<1x80x64xf32, #tpu.memory_space<vmem>>
    %dma_start3A_359 = tpu.memref_squeeze %dma_start3A_358 : memref<1x80x64xf32, #tpu.memory_space<vmem>> -> memref<80x64xf32, #tpu.memory_space<vmem>>
    %dma_start3A_360 = arith.constant 1280 : i32
    %dma_start3A_361 = tpu.memref_slice %arg5[%dma_start3A_360] : memref<1600xi32, #tpu.memory_space<vmem>> -> memref<80xi32, #tpu.memory_space<vmem>>
    %dma_start3A_362 = arith.constant 0 : i32
    %dma_start3A_363 = arith.constant 0 : i32
    %dma_start3A_364 = tpu.memref_slice %arg3[%dma_start3A_362, %dma_start3A_363] : memref<100000x64xf32, #tpu.memory_space<hbm>> -> memref<100000x64xf32, #tpu.memory_space<hbm>>
    tpu.enqueue_indirect_dma source(%dma_start3A_364 : memref<100000x64xf32, #tpu.memory_space<hbm>>) target(%dma_start3A_359 : memref<80x64xf32, #tpu.memory_space<vmem>>) offsets(%dma_start3A_361 : memref<80xi32, #tpu.memory_space<vmem>>) semaphore(%arg7 : memref<!tpu.dma_semaphore, #tpu.memory_space<semaphore_mem>>)
    %dma_wait3A_365 = arith.constant 1 : i32
    %dma_wait3A_366 = arith.constant 0 : i32
    %dma_wait3A_367 = arith.constant 0 : i32
    %dma_wait3A_368 = tpu.memref_slice %arg6[%dma_wait3A_365, %dma_wait3A_366, %dma_wait3A_367] : memref<2x80x64xf32, #tpu.memory_space<vmem>> -> memref<1x80x64xf32, #tpu.memory_space<vmem>>
    %dma_wait3A_369 = tpu.memref_squeeze %dma_wait3A_368 : memref<1x80x64xf32, #tpu.memory_space<vmem>> -> memref<80x64xf32, #tpu.memory_space<vmem>>
    %dma_wait3A_370 = arith.constant 1200 : i32
    %dma_wait3A_371 = tpu.memref_slice %arg5[%dma_wait3A_370] : memref<1600xi32, #tpu.memory_space<vmem>> -> memref<80xi32, #tpu.memory_space<vmem>>
    %dma_wait3A_372 = arith.constant 0 : i32
    %dma_wait3A_373 = arith.constant 0 : i32
    %dma_wait3A_374 = tpu.memref_slice %arg3[%dma_wait3A_372, %dma_wait3A_373] : memref<100000x64xf32, #tpu.memory_space<hbm>> -> memref<100000x64xf32, #tpu.memory_space<hbm>>
    tpu.wait_indirect_dma semaphore(%arg7 : memref<!tpu.dma_semaphore, #tpu.memory_space<semaphore_mem>>) src(%dma_wait3A_374 : memref<100000x64xf32, #tpu.memory_space<hbm>>) dst(%dma_wait3A_369 : memref<80x64xf32, #tpu.memory_space<vmem>>)
    %add3A_375 = arith.constant 1200 : i32
    %add3A_376 = arith.addi %mul3A_2, %add3A_375 : i32
    %run_scoped3A_377 = arith.constant 1 : i32
    "tpu.region"() ({
      %run_scoped3A_460 = tpu.sem_alloc : memref<!tpu.dma_semaphore, #tpu.memory_space<semaphore_mem>>
      %dma_start3A_461 = arith.constant 0 : i32
      %dma_start3A_462 = arith.constant 0 : i32
      %dma_start3A_463 = tpu.memref_slice %arg6[%run_scoped3A_377, %dma_start3A_461, %dma_start3A_462] : memref<2x80x64xf32, #tpu.memory_space<vmem>> -> memref<1x80x64xf32, #tpu.memory_space<vmem>>
      %dma_start3A_464 = tpu.memref_squeeze %dma_start3A_463 : memref<1x80x64xf32, #tpu.memory_space<vmem>> -> memref<80x64xf32, #tpu.memory_space<vmem>>
      %dma_start3A_465 = arith.constant 0 : i32
      %dma_start3A_466 = tpu.memref_slice %arg4[%add3A_376, %dma_start3A_465] : memref<51200x64xf32, #tpu.memory_space<hbm>> -> memref<80x64xf32, #tpu.memory_space<hbm>>
      %dma_start3A_467 = arith.constant 0 : i32
      %dma_start3A_468 = tpu.memref_slice %arg4[%add3A_376, %dma_start3A_467] : memref<51200x64xf32, #tpu.memory_space<hbm>> -> memref<80x64xf32, #tpu.memory_space<hbm>>
      %dma_start3A_469 = arith.constant 0 : i32
      %dma_start3A_470 = arith.constant 0 : i32
      %dma_start3A_471 = tpu.memref_slice %arg6[%run_scoped3A_377, %dma_start3A_469, %dma_start3A_470] : memref<2x80x64xf32, #tpu.memory_space<vmem>> -> memref<1x80x64xf32, #tpu.memory_space<vmem>>
      %dma_start3A_472 = tpu.memref_squeeze %dma_start3A_471 : memref<1x80x64xf32, #tpu.memory_space<vmem>> -> memref<80x64xf32, #tpu.memory_space<vmem>>
      tpu.enqueue_dma source(%dma_start3A_472 : memref<80x64xf32, #tpu.memory_space<vmem>>) target(%dma_start3A_468 : memref<80x64xf32, #tpu.memory_space<hbm>>) target_semaphore(%run_scoped3A_460 : memref<!tpu.dma_semaphore, #tpu.memory_space<semaphore_mem>>)
      %dma_wait3A_473 = arith.constant 0 : i32
      %dma_wait3A_474 = arith.constant 0 : i32
      %dma_wait3A_475 = tpu.memref_slice %arg6[%run_scoped3A_377, %dma_wait3A_473, %dma_wait3A_474] : memref<2x80x64xf32, #tpu.memory_space<vmem>> -> memref<1x80x64xf32, #tpu.memory_space<vmem>>
      %dma_wait3A_476 = tpu.memref_squeeze %dma_wait3A_475 : memref<1x80x64xf32, #tpu.memory_space<vmem>> -> memref<80x64xf32, #tpu.memory_space<vmem>>
      %dma_wait3A_477 = arith.constant 0 : i32
      %dma_wait3A_478 = tpu.memref_slice %arg4[%add3A_376, %dma_wait3A_477] : memref<51200x64xf32, #tpu.memory_space<hbm>> -> memref<80x64xf32, #tpu.memory_space<hbm>>
      %dma_wait3A_479 = arith.constant 0 : i32
      %dma_wait3A_480 = tpu.memref_slice %arg4[%add3A_376, %dma_wait3A_479] : memref<51200x64xf32, #tpu.memory_space<hbm>> -> memref<80x64xf32, #tpu.memory_space<hbm>>
      %dma_wait3A_481 = arith.constant 0 : i32
      %dma_wait3A_482 = arith.constant 0 : i32
      %dma_wait3A_483 = tpu.memref_slice %arg6[%run_scoped3A_377, %dma_wait3A_481, %dma_wait3A_482] : memref<2x80x64xf32, #tpu.memory_space<vmem>> -> memref<1x80x64xf32, #tpu.memory_space<vmem>>
      %dma_wait3A_484 = tpu.memref_squeeze %dma_wait3A_483 : memref<1x80x64xf32, #tpu.memory_space<vmem>> -> memref<80x64xf32, #tpu.memory_space<vmem>>
      tpu.wait_dma2 semaphore(%run_scoped3A_460 : memref<!tpu.dma_semaphore, #tpu.memory_space<semaphore_mem>>) src(%dma_wait3A_484 : memref<80x64xf32, #tpu.memory_space<vmem>>) dst(%dma_wait3A_480 : memref<80x64xf32, #tpu.memory_space<hbm>>)
      tpu.yield
    }) : () -> ()
    %dma_start3A_378 = arith.constant 1 : i32
    %dma_start3A_379 = arith.constant 0 : i32
    %dma_start3A_380 = arith.constant 0 : i32
    %dma_start3A_381 = tpu.memref_slice %arg6[%dma_start3A_378, %dma_start3A_379, %dma_start3A_380] : memref<2x80x64xf32, #tpu.memory_space<vmem>> -> memref<1x80x64xf32, #tpu.memory_space<vmem>>
    %dma_start3A_382 = tpu.memref_squeeze %dma_start3A_381 : memref<1x80x64xf32, #tpu.memory_space<vmem>> -> memref<80x64xf32, #tpu.memory_space<vmem>>
    %dma_start3A_383 = arith.constant 1360 : i32
    %dma_start3A_384 = tpu.memref_slice %arg5[%dma_start3A_383] : memref<1600xi32, #tpu.memory_space<vmem>> -> memref<80xi32, #tpu.memory_space<vmem>>
    %dma_start3A_385 = arith.constant 0 : i32
    %dma_start3A_386 = arith.constant 0 : i32
    %dma_start3A_387 = tpu.memref_slice %arg3[%dma_start3A_385, %dma_start3A_386] : memref<100000x64xf32, #tpu.memory_space<hbm>> -> memref<100000x64xf32, #tpu.memory_space<hbm>>
    tpu.enqueue_indirect_dma source(%dma_start3A_387 : memref<100000x64xf32, #tpu.memory_space<hbm>>) target(%dma_start3A_382 : memref<80x64xf32, #tpu.memory_space<vmem>>) offsets(%dma_start3A_384 : memref<80xi32, #tpu.memory_space<vmem>>) semaphore(%arg7 : memref<!tpu.dma_semaphore, #tpu.memory_space<semaphore_mem>>)
    %dma_wait3A_388 = arith.constant 0 : i32
    %dma_wait3A_389 = arith.constant 0 : i32
    %dma_wait3A_390 = arith.constant 0 : i32
    %dma_wait3A_391 = tpu.memref_slice %arg6[%dma_wait3A_388, %dma_wait3A_389, %dma_wait3A_390] : memref<2x80x64xf32, #tpu.memory_space<vmem>> -> memref<1x80x64xf32, #tpu.memory_space<vmem>>
    %dma_wait3A_392 = tpu.memref_squeeze %dma_wait3A_391 : memref<1x80x64xf32, #tpu.memory_space<vmem>> -> memref<80x64xf32, #tpu.memory_space<vmem>>
    %dma_wait3A_393 = arith.constant 1280 : i32
    %dma_wait3A_394 = tpu.memref_slice %arg5[%dma_wait3A_393] : memref<1600xi32, #tpu.memory_space<vmem>> -> memref<80xi32, #tpu.memory_space<vmem>>
    %dma_wait3A_395 = arith.constant 0 : i32
    %dma_wait3A_396 = arith.constant 0 : i32
    %dma_wait3A_397 = tpu.memref_slice %arg3[%dma_wait3A_395, %dma_wait3A_396] : memref<100000x64xf32, #tpu.memory_space<hbm>> -> memref<100000x64xf32, #tpu.memory_space<hbm>>
    tpu.wait_indirect_dma semaphore(%arg7 : memref<!tpu.dma_semaphore, #tpu.memory_space<semaphore_mem>>) src(%dma_wait3A_397 : memref<100000x64xf32, #tpu.memory_space<hbm>>) dst(%dma_wait3A_392 : memref<80x64xf32, #tpu.memory_space<vmem>>)
    %add3A_398 = arith.constant 1280 : i32
    %add3A_399 = arith.addi %mul3A_2, %add3A_398 : i32
    %run_scoped3A_400 = arith.constant 0 : i32
    "tpu.region"() ({
      %run_scoped3A_460 = tpu.sem_alloc : memref<!tpu.dma_semaphore, #tpu.memory_space<semaphore_mem>>
      %dma_start3A_461 = arith.constant 0 : i32
      %dma_start3A_462 = arith.constant 0 : i32
      %dma_start3A_463 = tpu.memref_slice %arg6[%run_scoped3A_400, %dma_start3A_461, %dma_start3A_462] : memref<2x80x64xf32, #tpu.memory_space<vmem>> -> memref<1x80x64xf32, #tpu.memory_space<vmem>>
      %dma_start3A_464 = tpu.memref_squeeze %dma_start3A_463 : memref<1x80x64xf32, #tpu.memory_space<vmem>> -> memref<80x64xf32, #tpu.memory_space<vmem>>
      %dma_start3A_465 = arith.constant 0 : i32
      %dma_start3A_466 = tpu.memref_slice %arg4[%add3A_399, %dma_start3A_465] : memref<51200x64xf32, #tpu.memory_space<hbm>> -> memref<80x64xf32, #tpu.memory_space<hbm>>
      %dma_start3A_467 = arith.constant 0 : i32
      %dma_start3A_468 = tpu.memref_slice %arg4[%add3A_399, %dma_start3A_467] : memref<51200x64xf32, #tpu.memory_space<hbm>> -> memref<80x64xf32, #tpu.memory_space<hbm>>
      %dma_start3A_469 = arith.constant 0 : i32
      %dma_start3A_470 = arith.constant 0 : i32
      %dma_start3A_471 = tpu.memref_slice %arg6[%run_scoped3A_400, %dma_start3A_469, %dma_start3A_470] : memref<2x80x64xf32, #tpu.memory_space<vmem>> -> memref<1x80x64xf32, #tpu.memory_space<vmem>>
      %dma_start3A_472 = tpu.memref_squeeze %dma_start3A_471 : memref<1x80x64xf32, #tpu.memory_space<vmem>> -> memref<80x64xf32, #tpu.memory_space<vmem>>
      tpu.enqueue_dma source(%dma_start3A_472 : memref<80x64xf32, #tpu.memory_space<vmem>>) target(%dma_start3A_468 : memref<80x64xf32, #tpu.memory_space<hbm>>) target_semaphore(%run_scoped3A_460 : memref<!tpu.dma_semaphore, #tpu.memory_space<semaphore_mem>>)
      %dma_wait3A_473 = arith.constant 0 : i32
      %dma_wait3A_474 = arith.constant 0 : i32
      %dma_wait3A_475 = tpu.memref_slice %arg6[%run_scoped3A_400, %dma_wait3A_473, %dma_wait3A_474] : memref<2x80x64xf32, #tpu.memory_space<vmem>> -> memref<1x80x64xf32, #tpu.memory_space<vmem>>
      %dma_wait3A_476 = tpu.memref_squeeze %dma_wait3A_475 : memref<1x80x64xf32, #tpu.memory_space<vmem>> -> memref<80x64xf32, #tpu.memory_space<vmem>>
      %dma_wait3A_477 = arith.constant 0 : i32
      %dma_wait3A_478 = tpu.memref_slice %arg4[%add3A_399, %dma_wait3A_477] : memref<51200x64xf32, #tpu.memory_space<hbm>> -> memref<80x64xf32, #tpu.memory_space<hbm>>
      %dma_wait3A_479 = arith.constant 0 : i32
      %dma_wait3A_480 = tpu.memref_slice %arg4[%add3A_399, %dma_wait3A_479] : memref<51200x64xf32, #tpu.memory_space<hbm>> -> memref<80x64xf32, #tpu.memory_space<hbm>>
      %dma_wait3A_481 = arith.constant 0 : i32
      %dma_wait3A_482 = arith.constant 0 : i32
      %dma_wait3A_483 = tpu.memref_slice %arg6[%run_scoped3A_400, %dma_wait3A_481, %dma_wait3A_482] : memref<2x80x64xf32, #tpu.memory_space<vmem>> -> memref<1x80x64xf32, #tpu.memory_space<vmem>>
      %dma_wait3A_484 = tpu.memref_squeeze %dma_wait3A_483 : memref<1x80x64xf32, #tpu.memory_space<vmem>> -> memref<80x64xf32, #tpu.memory_space<vmem>>
      tpu.wait_dma2 semaphore(%run_scoped3A_460 : memref<!tpu.dma_semaphore, #tpu.memory_space<semaphore_mem>>) src(%dma_wait3A_484 : memref<80x64xf32, #tpu.memory_space<vmem>>) dst(%dma_wait3A_480 : memref<80x64xf32, #tpu.memory_space<hbm>>)
      tpu.yield
    }) : () -> ()
    %dma_start3A_401 = arith.constant 0 : i32
    %dma_start3A_402 = arith.constant 0 : i32
    %dma_start3A_403 = arith.constant 0 : i32
    %dma_start3A_404 = tpu.memref_slice %arg6[%dma_start3A_401, %dma_start3A_402, %dma_start3A_403] : memref<2x80x64xf32, #tpu.memory_space<vmem>> -> memref<1x80x64xf32, #tpu.memory_space<vmem>>
    %dma_start3A_405 = tpu.memref_squeeze %dma_start3A_404 : memref<1x80x64xf32, #tpu.memory_space<vmem>> -> memref<80x64xf32, #tpu.memory_space<vmem>>
    %dma_start3A_406 = arith.constant 1440 : i32
    %dma_start3A_407 = tpu.memref_slice %arg5[%dma_start3A_406] : memref<1600xi32, #tpu.memory_space<vmem>> -> memref<80xi32, #tpu.memory_space<vmem>>
    %dma_start3A_408 = arith.constant 0 : i32
    %dma_start3A_409 = arith.constant 0 : i32
    %dma_start3A_410 = tpu.memref_slice %arg3[%dma_start3A_408, %dma_start3A_409] : memref<100000x64xf32, #tpu.memory_space<hbm>> -> memref<100000x64xf32, #tpu.memory_space<hbm>>
    tpu.enqueue_indirect_dma source(%dma_start3A_410 : memref<100000x64xf32, #tpu.memory_space<hbm>>) target(%dma_start3A_405 : memref<80x64xf32, #tpu.memory_space<vmem>>) offsets(%dma_start3A_407 : memref<80xi32, #tpu.memory_space<vmem>>) semaphore(%arg7 : memref<!tpu.dma_semaphore, #tpu.memory_space<semaphore_mem>>)
    %dma_wait3A_411 = arith.constant 1 : i32
    %dma_wait3A_412 = arith.constant 0 : i32
    %dma_wait3A_413 = arith.constant 0 : i32
    %dma_wait3A_414 = tpu.memref_slice %arg6[%dma_wait3A_411, %dma_wait3A_412, %dma_wait3A_413] : memref<2x80x64xf32, #tpu.memory_space<vmem>> -> memref<1x80x64xf32, #tpu.memory_space<vmem>>
    %dma_wait3A_415 = tpu.memref_squeeze %dma_wait3A_414 : memref<1x80x64xf32, #tpu.memory_space<vmem>> -> memref<80x64xf32, #tpu.memory_space<vmem>>
    %dma_wait3A_416 = arith.constant 1360 : i32
    %dma_wait3A_417 = tpu.memref_slice %arg5[%dma_wait3A_416] : memref<1600xi32, #tpu.memory_space<vmem>> -> memref<80xi32, #tpu.memory_space<vmem>>
    %dma_wait3A_418 = arith.constant 0 : i32
    %dma_wait3A_419 = arith.constant 0 : i32
    %dma_wait3A_420 = tpu.memref_slice %arg3[%dma_wait3A_418, %dma_wait3A_419] : memref<100000x64xf32, #tpu.memory_space<hbm>> -> memref<100000x64xf32, #tpu.memory_space<hbm>>
    tpu.wait_indirect_dma semaphore(%arg7 : memref<!tpu.dma_semaphore, #tpu.memory_space<semaphore_mem>>) src(%dma_wait3A_420 : memref<100000x64xf32, #tpu.memory_space<hbm>>) dst(%dma_wait3A_415 : memref<80x64xf32, #tpu.memory_space<vmem>>)
    %add3A_421 = arith.constant 1360 : i32
    %add3A_422 = arith.addi %mul3A_2, %add3A_421 : i32
    %run_scoped3A_423 = arith.constant 1 : i32
    "tpu.region"() ({
      %run_scoped3A_460 = tpu.sem_alloc : memref<!tpu.dma_semaphore, #tpu.memory_space<semaphore_mem>>
      %dma_start3A_461 = arith.constant 0 : i32
      %dma_start3A_462 = arith.constant 0 : i32
      %dma_start3A_463 = tpu.memref_slice %arg6[%run_scoped3A_423, %dma_start3A_461, %dma_start3A_462] : memref<2x80x64xf32, #tpu.memory_space<vmem>> -> memref<1x80x64xf32, #tpu.memory_space<vmem>>
      %dma_start3A_464 = tpu.memref_squeeze %dma_start3A_463 : memref<1x80x64xf32, #tpu.memory_space<vmem>> -> memref<80x64xf32, #tpu.memory_space<vmem>>
      %dma_start3A_465 = arith.constant 0 : i32
      %dma_start3A_466 = tpu.memref_slice %arg4[%add3A_422, %dma_start3A_465] : memref<51200x64xf32, #tpu.memory_space<hbm>> -> memref<80x64xf32, #tpu.memory_space<hbm>>
      %dma_start3A_467 = arith.constant 0 : i32
      %dma_start3A_468 = tpu.memref_slice %arg4[%add3A_422, %dma_start3A_467] : memref<51200x64xf32, #tpu.memory_space<hbm>> -> memref<80x64xf32, #tpu.memory_space<hbm>>
      %dma_start3A_469 = arith.constant 0 : i32
      %dma_start3A_470 = arith.constant 0 : i32
      %dma_start3A_471 = tpu.memref_slice %arg6[%run_scoped3A_423, %dma_start3A_469, %dma_start3A_470] : memref<2x80x64xf32, #tpu.memory_space<vmem>> -> memref<1x80x64xf32, #tpu.memory_space<vmem>>
      %dma_start3A_472 = tpu.memref_squeeze %dma_start3A_471 : memref<1x80x64xf32, #tpu.memory_space<vmem>> -> memref<80x64xf32, #tpu.memory_space<vmem>>
      tpu.enqueue_dma source(%dma_start3A_472 : memref<80x64xf32, #tpu.memory_space<vmem>>) target(%dma_start3A_468 : memref<80x64xf32, #tpu.memory_space<hbm>>) target_semaphore(%run_scoped3A_460 : memref<!tpu.dma_semaphore, #tpu.memory_space<semaphore_mem>>)
      %dma_wait3A_473 = arith.constant 0 : i32
      %dma_wait3A_474 = arith.constant 0 : i32
      %dma_wait3A_475 = tpu.memref_slice %arg6[%run_scoped3A_423, %dma_wait3A_473, %dma_wait3A_474] : memref<2x80x64xf32, #tpu.memory_space<vmem>> -> memref<1x80x64xf32, #tpu.memory_space<vmem>>
      %dma_wait3A_476 = tpu.memref_squeeze %dma_wait3A_475 : memref<1x80x64xf32, #tpu.memory_space<vmem>> -> memref<80x64xf32, #tpu.memory_space<vmem>>
      %dma_wait3A_477 = arith.constant 0 : i32
      %dma_wait3A_478 = tpu.memref_slice %arg4[%add3A_422, %dma_wait3A_477] : memref<51200x64xf32, #tpu.memory_space<hbm>> -> memref<80x64xf32, #tpu.memory_space<hbm>>
      %dma_wait3A_479 = arith.constant 0 : i32
      %dma_wait3A_480 = tpu.memref_slice %arg4[%add3A_422, %dma_wait3A_479] : memref<51200x64xf32, #tpu.memory_space<hbm>> -> memref<80x64xf32, #tpu.memory_space<hbm>>
      %dma_wait3A_481 = arith.constant 0 : i32
      %dma_wait3A_482 = arith.constant 0 : i32
      %dma_wait3A_483 = tpu.memref_slice %arg6[%run_scoped3A_423, %dma_wait3A_481, %dma_wait3A_482] : memref<2x80x64xf32, #tpu.memory_space<vmem>> -> memref<1x80x64xf32, #tpu.memory_space<vmem>>
      %dma_wait3A_484 = tpu.memref_squeeze %dma_wait3A_483 : memref<1x80x64xf32, #tpu.memory_space<vmem>> -> memref<80x64xf32, #tpu.memory_space<vmem>>
      tpu.wait_dma2 semaphore(%run_scoped3A_460 : memref<!tpu.dma_semaphore, #tpu.memory_space<semaphore_mem>>) src(%dma_wait3A_484 : memref<80x64xf32, #tpu.memory_space<vmem>>) dst(%dma_wait3A_480 : memref<80x64xf32, #tpu.memory_space<hbm>>)
      tpu.yield
    }) : () -> ()
    %dma_start3A_424 = arith.constant 1 : i32
    %dma_start3A_425 = arith.constant 0 : i32
    %dma_start3A_426 = arith.constant 0 : i32
    %dma_start3A_427 = tpu.memref_slice %arg6[%dma_start3A_424, %dma_start3A_425, %dma_start3A_426] : memref<2x80x64xf32, #tpu.memory_space<vmem>> -> memref<1x80x64xf32, #tpu.memory_space<vmem>>
    %dma_start3A_428 = tpu.memref_squeeze %dma_start3A_427 : memref<1x80x64xf32, #tpu.memory_space<vmem>> -> memref<80x64xf32, #tpu.memory_space<vmem>>
    %dma_start3A_429 = arith.constant 1520 : i32
    %dma_start3A_430 = tpu.memref_slice %arg5[%dma_start3A_429] : memref<1600xi32, #tpu.memory_space<vmem>> -> memref<80xi32, #tpu.memory_space<vmem>>
    %dma_start3A_431 = arith.constant 0 : i32
    %dma_start3A_432 = arith.constant 0 : i32
    %dma_start3A_433 = tpu.memref_slice %arg3[%dma_start3A_431, %dma_start3A_432] : memref<100000x64xf32, #tpu.memory_space<hbm>> -> memref<100000x64xf32, #tpu.memory_space<hbm>>
    tpu.enqueue_indirect_dma source(%dma_start3A_433 : memref<100000x64xf32, #tpu.memory_space<hbm>>) target(%dma_start3A_428 : memref<80x64xf32, #tpu.memory_space<vmem>>) offsets(%dma_start3A_430 : memref<80xi32, #tpu.memory_space<vmem>>) semaphore(%arg7 : memref<!tpu.dma_semaphore, #tpu.memory_space<semaphore_mem>>)
    %dma_wait3A_434 = arith.constant 0 : i32
    %dma_wait3A_435 = arith.constant 0 : i32
    %dma_wait3A_436 = arith.constant 0 : i32
    %dma_wait3A_437 = tpu.memref_slice %arg6[%dma_wait3A_434, %dma_wait3A_435, %dma_wait3A_436] : memref<2x80x64xf32, #tpu.memory_space<vmem>> -> memref<1x80x64xf32, #tpu.memory_space<vmem>>
    %dma_wait3A_438 = tpu.memref_squeeze %dma_wait3A_437 : memref<1x80x64xf32, #tpu.memory_space<vmem>> -> memref<80x64xf32, #tpu.memory_space<vmem>>
    %dma_wait3A_439 = arith.constant 1440 : i32
    %dma_wait3A_440 = tpu.memref_slice %arg5[%dma_wait3A_439] : memref<1600xi32, #tpu.memory_space<vmem>> -> memref<80xi32, #tpu.memory_space<vmem>>
    %dma_wait3A_441 = arith.constant 0 : i32
    %dma_wait3A_442 = arith.constant 0 : i32
    %dma_wait3A_443 = tpu.memref_slice %arg3[%dma_wait3A_441, %dma_wait3A_442] : memref<100000x64xf32, #tpu.memory_space<hbm>> -> memref<100000x64xf32, #tpu.memory_space<hbm>>
    tpu.wait_indirect_dma semaphore(%arg7 : memref<!tpu.dma_semaphore, #tpu.memory_space<semaphore_mem>>) src(%dma_wait3A_443 : memref<100000x64xf32, #tpu.memory_space<hbm>>) dst(%dma_wait3A_438 : memref<80x64xf32, #tpu.memory_space<vmem>>)
    %add3A_444 = arith.constant 1440 : i32
    %add3A_445 = arith.addi %mul3A_2, %add3A_444 : i32
    %run_scoped3A_446 = arith.constant 0 : i32
    "tpu.region"() ({
      %run_scoped3A_460 = tpu.sem_alloc : memref<!tpu.dma_semaphore, #tpu.memory_space<semaphore_mem>>
      %dma_start3A_461 = arith.constant 0 : i32
      %dma_start3A_462 = arith.constant 0 : i32
      %dma_start3A_463 = tpu.memref_slice %arg6[%run_scoped3A_446, %dma_start3A_461, %dma_start3A_462] : memref<2x80x64xf32, #tpu.memory_space<vmem>> -> memref<1x80x64xf32, #tpu.memory_space<vmem>>
      %dma_start3A_464 = tpu.memref_squeeze %dma_start3A_463 : memref<1x80x64xf32, #tpu.memory_space<vmem>> -> memref<80x64xf32, #tpu.memory_space<vmem>>
      %dma_start3A_465 = arith.constant 0 : i32
      %dma_start3A_466 = tpu.memref_slice %arg4[%add3A_445, %dma_start3A_465] : memref<51200x64xf32, #tpu.memory_space<hbm>> -> memref<80x64xf32, #tpu.memory_space<hbm>>
      %dma_start3A_467 = arith.constant 0 : i32
      %dma_start3A_468 = tpu.memref_slice %arg4[%add3A_445, %dma_start3A_467] : memref<51200x64xf32, #tpu.memory_space<hbm>> -> memref<80x64xf32, #tpu.memory_space<hbm>>
      %dma_start3A_469 = arith.constant 0 : i32
      %dma_start3A_470 = arith.constant 0 : i32
      %dma_start3A_471 = tpu.memref_slice %arg6[%run_scoped3A_446, %dma_start3A_469, %dma_start3A_470] : memref<2x80x64xf32, #tpu.memory_space<vmem>> -> memref<1x80x64xf32, #tpu.memory_space<vmem>>
      %dma_start3A_472 = tpu.memref_squeeze %dma_start3A_471 : memref<1x80x64xf32, #tpu.memory_space<vmem>> -> memref<80x64xf32, #tpu.memory_space<vmem>>
      tpu.enqueue_dma source(%dma_start3A_472 : memref<80x64xf32, #tpu.memory_space<vmem>>) target(%dma_start3A_468 : memref<80x64xf32, #tpu.memory_space<hbm>>) target_semaphore(%run_scoped3A_460 : memref<!tpu.dma_semaphore, #tpu.memory_space<semaphore_mem>>)
      %dma_wait3A_473 = arith.constant 0 : i32
      %dma_wait3A_474 = arith.constant 0 : i32
      %dma_wait3A_475 = tpu.memref_slice %arg6[%run_scoped3A_446, %dma_wait3A_473, %dma_wait3A_474] : memref<2x80x64xf32, #tpu.memory_space<vmem>> -> memref<1x80x64xf32, #tpu.memory_space<vmem>>
      %dma_wait3A_476 = tpu.memref_squeeze %dma_wait3A_475 : memref<1x80x64xf32, #tpu.memory_space<vmem>> -> memref<80x64xf32, #tpu.memory_space<vmem>>
      %dma_wait3A_477 = arith.constant 0 : i32
      %dma_wait3A_478 = tpu.memref_slice %arg4[%add3A_445, %dma_wait3A_477] : memref<51200x64xf32, #tpu.memory_space<hbm>> -> memref<80x64xf32, #tpu.memory_space<hbm>>
      %dma_wait3A_479 = arith.constant 0 : i32
      %dma_wait3A_480 = tpu.memref_slice %arg4[%add3A_445, %dma_wait3A_479] : memref<51200x64xf32, #tpu.memory_space<hbm>> -> memref<80x64xf32, #tpu.memory_space<hbm>>
      %dma_wait3A_481 = arith.constant 0 : i32
      %dma_wait3A_482 = arith.constant 0 : i32
      %dma_wait3A_483 = tpu.memref_slice %arg6[%run_scoped3A_446, %dma_wait3A_481, %dma_wait3A_482] : memref<2x80x64xf32, #tpu.memory_space<vmem>> -> memref<1x80x64xf32, #tpu.memory_space<vmem>>
      %dma_wait3A_484 = tpu.memref_squeeze %dma_wait3A_483 : memref<1x80x64xf32, #tpu.memory_space<vmem>> -> memref<80x64xf32, #tpu.memory_space<vmem>>
      tpu.wait_dma2 semaphore(%run_scoped3A_460 : memref<!tpu.dma_semaphore, #tpu.memory_space<semaphore_mem>>) src(%dma_wait3A_484 : memref<80x64xf32, #tpu.memory_space<vmem>>) dst(%dma_wait3A_480 : memref<80x64xf32, #tpu.memory_space<hbm>>)
      tpu.yield
    }) : () -> ()
    %dma_wait3A_447 = arith.constant 1 : i32
    %dma_wait3A_448 = arith.constant 0 : i32
    %dma_wait3A_449 = arith.constant 0 : i32
    %dma_wait3A_450 = tpu.memref_slice %arg6[%dma_wait3A_447, %dma_wait3A_448, %dma_wait3A_449] : memref<2x80x64xf32, #tpu.memory_space<vmem>> -> memref<1x80x64xf32, #tpu.memory_space<vmem>>
    %dma_wait3A_451 = tpu.memref_squeeze %dma_wait3A_450 : memref<1x80x64xf32, #tpu.memory_space<vmem>> -> memref<80x64xf32, #tpu.memory_space<vmem>>
    %dma_wait3A_452 = arith.constant 1520 : i32
    %dma_wait3A_453 = tpu.memref_slice %arg5[%dma_wait3A_452] : memref<1600xi32, #tpu.memory_space<vmem>> -> memref<80xi32, #tpu.memory_space<vmem>>
    %dma_wait3A_454 = arith.constant 0 : i32
    %dma_wait3A_455 = arith.constant 0 : i32
    %dma_wait3A_456 = tpu.memref_slice %arg3[%dma_wait3A_454, %dma_wait3A_455] : memref<100000x64xf32, #tpu.memory_space<hbm>> -> memref<100000x64xf32, #tpu.memory_space<hbm>>
    tpu.wait_indirect_dma semaphore(%arg7 : memref<!tpu.dma_semaphore, #tpu.memory_space<semaphore_mem>>) src(%dma_wait3A_456 : memref<100000x64xf32, #tpu.memory_space<hbm>>) dst(%dma_wait3A_451 : memref<80x64xf32, #tpu.memory_space<vmem>>)
    %add3A_457 = arith.constant 1520 : i32
    %add3A_458 = arith.addi %mul3A_2, %add3A_457 : i32
    %run_scoped3A_459 = arith.constant 1 : i32
    "tpu.region"() ({
      %run_scoped3A_460 = tpu.sem_alloc : memref<!tpu.dma_semaphore, #tpu.memory_space<semaphore_mem>>
      %dma_start3A_461 = arith.constant 0 : i32
      %dma_start3A_462 = arith.constant 0 : i32
      %dma_start3A_463 = tpu.memref_slice %arg6[%run_scoped3A_459, %dma_start3A_461, %dma_start3A_462] : memref<2x80x64xf32, #tpu.memory_space<vmem>> -> memref<1x80x64xf32, #tpu.memory_space<vmem>>
      %dma_start3A_464 = tpu.memref_squeeze %dma_start3A_463 : memref<1x80x64xf32, #tpu.memory_space<vmem>> -> memref<80x64xf32, #tpu.memory_space<vmem>>
      %dma_start3A_465 = arith.constant 0 : i32
      %dma_start3A_466 = tpu.memref_slice %arg4[%add3A_458, %dma_start3A_465] : memref<51200x64xf32, #tpu.memory_space<hbm>> -> memref<80x64xf32, #tpu.memory_space<hbm>>
      %dma_start3A_467 = arith.constant 0 : i32
      %dma_start3A_468 = tpu.memref_slice %arg4[%add3A_458, %dma_start3A_467] : memref<51200x64xf32, #tpu.memory_space<hbm>> -> memref<80x64xf32, #tpu.memory_space<hbm>>
      %dma_start3A_469 = arith.constant 0 : i32
      %dma_start3A_470 = arith.constant 0 : i32
      %dma_start3A_471 = tpu.memref_slice %arg6[%run_scoped3A_459, %dma_start3A_469, %dma_start3A_470] : memref<2x80x64xf32, #tpu.memory_space<vmem>> -> memref<1x80x64xf32, #tpu.memory_space<vmem>>
      %dma_start3A_472 = tpu.memref_squeeze %dma_start3A_471 : memref<1x80x64xf32, #tpu.memory_space<vmem>> -> memref<80x64xf32, #tpu.memory_space<vmem>>
      tpu.enqueue_dma source(%dma_start3A_472 : memref<80x64xf32, #tpu.memory_space<vmem>>) target(%dma_start3A_468 : memref<80x64xf32, #tpu.memory_space<hbm>>) target_semaphore(%run_scoped3A_460 : memref<!tpu.dma_semaphore, #tpu.memory_space<semaphore_mem>>)
      %dma_wait3A_473 = arith.constant 0 : i32
      %dma_wait3A_474 = arith.constant 0 : i32
      %dma_wait3A_475 = tpu.memref_slice %arg6[%run_scoped3A_459, %dma_wait3A_473, %dma_wait3A_474] : memref<2x80x64xf32, #tpu.memory_space<vmem>> -> memref<1x80x64xf32, #tpu.memory_space<vmem>>
      %dma_wait3A_476 = tpu.memref_squeeze %dma_wait3A_475 : memref<1x80x64xf32, #tpu.memory_space<vmem>> -> memref<80x64xf32, #tpu.memory_space<vmem>>
      %dma_wait3A_477 = arith.constant 0 : i32
      %dma_wait3A_478 = tpu.memref_slice %arg4[%add3A_458, %dma_wait3A_477] : memref<51200x64xf32, #tpu.memory_space<hbm>> -> memref<80x64xf32, #tpu.memory_space<hbm>>
      %dma_wait3A_479 = arith.constant 0 : i32
      %dma_wait3A_480 = tpu.memref_slice %arg4[%add3A_458, %dma_wait3A_479] : memref<51200x64xf32, #tpu.memory_space<hbm>> -> memref<80x64xf32, #tpu.memory_space<hbm>>
      %dma_wait3A_481 = arith.constant 0 : i32
      %dma_wait3A_482 = arith.constant 0 : i32
      %dma_wait3A_483 = tpu.memref_slice %arg6[%run_scoped3A_459, %dma_wait3A_481, %dma_wait3A_482] : memref<2x80x64xf32, #tpu.memory_space<vmem>> -> memref<1x80x64xf32, #tpu.memory_space<vmem>>
      %dma_wait3A_484 = tpu.memref_squeeze %dma_wait3A_483 : memref<1x80x64xf32, #tpu.memory_space<vmem>> -> memref<80x64xf32, #tpu.memory_space<vmem>>
      tpu.wait_dma2 semaphore(%run_scoped3A_460 : memref<!tpu.dma_semaphore, #tpu.memory_space<semaphore_mem>>) src(%dma_wait3A_484 : memref<80x64xf32, #tpu.memory_space<vmem>>) dst(%dma_wait3A_480 : memref<80x64xf32, #tpu.memory_space<hbm>>)
      tpu.yield
    }) : () -> ()
    return
  }
}

module attributes {stable_mosaic.version = 14 : i64} {
  func.func @_prep_body(%arg0: memref<1024x50xi32, #tpu.memory_space<vmem>>, %arg1: memref<50x1024xi32, #tpu.memory_space<vmem>>) attributes {dimension_semantics = [], scalar_prefetch = 0 : i64, scratch_operands = 0 : i64, tpu.core_type = #tpu.core_type<tc>} {
    %get3A = arith.constant 0 : index
    %get3A_0 = arith.constant 0 : index
    %get3A_1 = vector.load %arg0[%get3A, %get3A_0] : memref<1024x50xi32, #tpu.memory_space<vmem>>, vector<1024x50xi32>
    %transpose3A = tpu.transpose %get3A_1, [1, 0] : vector<1024x50xi32> -> vector<50x1024xi32>
    %swap3A = arith.constant 0 : index
    %swap3A_2 = arith.constant 0 : index
    %swap3A_3 = vector.load %arg1[%swap3A, %swap3A_2] : memref<50x1024xi32, #tpu.memory_space<vmem>>, vector<50x1024xi32>
    tpu.vector_store %arg1[%swap3A, %swap3A_2], %transpose3A {strides = array<i32>} : memref<50x1024xi32, #tpu.memory_space<vmem>>, vector<50x1024xi32>,
    return
  }
}

module attributes {stable_mosaic.version = 14 : i64} {
  func.func @_rnn_steps(%arg0: i32, %arg1: memref<4096x128xf32, #tpu.memory_space<vmem>>, %arg2: memref<128x128xf32, #tpu.memory_space<vmem>>, %arg3: memref<128x128xf32, #tpu.memory_space<vmem>>, %arg4: memref<1x128xf32, #tpu.memory_space<vmem>>, %arg5: memref<4096x128xf32, #tpu.memory_space<vmem>>, %arg6: memref<512x128xf32, #tpu.memory_space<vmem>>, %arg7: memref<512x128xf32, #tpu.memory_space<vmem>>) attributes {dimension_semantics = [#tpu.dimension_semantics<arbitrary>], iteration_bounds = array<i64: 7>, scalar_prefetch = 0 : i64, scratch_operands = 1 : i64, tpu.core_type = #tpu.core_type<tc>, window_params = [{transform_indices = @transform_0, window_bounds = array<i64: 4096, 128>}, {pipeline_mode = #tpu.pipeline_mode<synchronous>, transform_indices = @transform_1, window_bounds = array<i64: 128, 128>}, {pipeline_mode = #tpu.pipeline_mode<synchronous>, transform_indices = @transform_2, window_bounds = array<i64: 128, 128>}, {pipeline_mode = #tpu.pipeline_mode<synchronous>, transform_indices = @transform_3, window_bounds = array<i64: 1, 128>}, {transform_indices = @transform_4, window_bounds = array<i64: 4096, 128>}, {pipeline_mode = #tpu.pipeline_mode<synchronous>, transform_indices = @transform_5, window_bounds = array<i64: 512, 128>}]} {
    %eq3A = arith.constant 0 : i32
    %eq3A_0 = arith.cmpi eq, %arg0, %eq3A : i32
    %convert_element_type3A = arith.extui %eq3A_0 : i1 to i32
    %cond3A = arith.constant 0 : i32
    %cond3A_1 = arith.cmpi ne, %convert_element_type3A, %cond3A : i32
    scf.if %cond3A_1 {
      %broadcast_in_dim3A = arith.constant 0.000000e+00 : f32
      %broadcast_in_dim3A_192 = vector.broadcast %broadcast_in_dim3A : f32 to vector<512x128xf32>
      %swap3A_193 = arith.constant 0 : index
      %swap3A_194 = arith.constant 0 : index
      %swap3A_195 = vector.load %arg7[%swap3A_193, %swap3A_194] : memref<512x128xf32, #tpu.memory_space<vmem>>, vector<512x128xf32>
      tpu.vector_store %arg7[%swap3A_193, %swap3A_194], %broadcast_in_dim3A_192 {strides = array<i32>} : memref<512x128xf32, #tpu.memory_space<vmem>>, vector<512x128xf32>,
    } else {
    }
    %get3A = arith.constant 0 : index
    %get3A_2 = arith.constant 0 : index
    %get3A_3 = vector.load %arg7[%get3A, %get3A_2] : memref<512x128xf32, #tpu.memory_space<vmem>>, vector<512x128xf32>
    %get3A_4 = arith.constant 0 : index
    %get3A_5 = arith.constant 0 : index
    %get3A_6 = vector.load %arg1[%get3A_4, %get3A_5] : memref<4096x128xf32, #tpu.memory_space<vmem>>, vector<512x128xf32>
    %get3A_7 = arith.constant 0 : index
    %get3A_8 = arith.constant 0 : index
    %get3A_9 = vector.load %arg2[%get3A_7, %get3A_8] : memref<128x128xf32, #tpu.memory_space<vmem>>, vector<128x128xf32>
    %dot_general3A = arith.constant dense<0.000000e+00> : vector<512x128xf32>
    %dot_general3A_10 = tpu.matmul %get3A_6, %get3A_9, %dot_general3A {dimension_numbers = #tpu.dot_dimension_numbers<[1], [0], [0], [1], [0, 0, 1, 1], [], []>, transpose_lhs_hint = false} : vector<512x128xf32>, vector<128x128xf32>, vector<512x128xf32> -> vector<512x128xf32>
    %get3A_11 = arith.constant 0 : index
    %get3A_12 = arith.constant 0 : index
    %get3A_13 = vector.load %arg3[%get3A_11, %get3A_12] : memref<128x128xf32, #tpu.memory_space<vmem>>, vector<128x128xf32>
    %dot_general3A_14 = arith.constant dense<0.000000e+00> : vector<512x128xf32>
    %dot_general3A_15 = tpu.matmul %get3A_3, %get3A_13, %dot_general3A_14 {dimension_numbers = #tpu.dot_dimension_numbers<[1], [0], [0], [1], [0, 0, 1, 1], [], []>, transpose_lhs_hint = false} : vector<512x128xf32>, vector<128x128xf32>, vector<512x128xf32> -> vector<512x128xf32>
    %add3A = arith.addf %dot_general3A_10, %dot_general3A_15 : vector<512x128xf32>
    %get3A_16 = arith.constant 0 : index
    %get3A_17 = arith.constant 0 : index
    %get3A_18 = vector.load %arg4[%get3A_16, %get3A_17] : memref<1x128xf32, #tpu.memory_space<vmem>>, vector<1x128xf32>
    %add3A_19 = vector.broadcast %get3A_18 : vector<1x128xf32> to vector<512x128xf32>
    %add3A_20 = arith.addf %add3A, %add3A_19 : vector<512x128xf32>
    %tanh3A = math.tanh %add3A_20 : vector<512x128xf32>
    %swap3A = arith.constant 0 : index
    %swap3A_21 = arith.constant 0 : index
    %swap3A_22 = vector.load %arg5[%swap3A, %swap3A_21] : memref<4096x128xf32, #tpu.memory_space<vmem>>, vector<512x128xf32>
    tpu.vector_store %arg5[%swap3A, %swap3A_21], %tanh3A {strides = array<i32>} : memref<4096x128xf32, #tpu.memory_space<vmem>>, vector<512x128xf32>,
    %get3A_23 = arith.constant 512 : index
    %get3A_24 = arith.constant 0 : index
    %get3A_25 = vector.load %arg1[%get3A_23, %get3A_24] : memref<4096x128xf32, #tpu.memory_space<vmem>>, vector<512x128xf32>
    %get3A_26 = arith.constant 0 : index
    %get3A_27 = arith.constant 0 : index
    %get3A_28 = vector.load %arg2[%get3A_26, %get3A_27] : memref<128x128xf32, #tpu.memory_space<vmem>>, vector<128x128xf32>
    %dot_general3A_29 = arith.constant dense<0.000000e+00> : vector<512x128xf32>
    %dot_general3A_30 = tpu.matmul %get3A_25, %get3A_28, %dot_general3A_29 {dimension_numbers = #tpu.dot_dimension_numbers<[1], [0], [0], [1], [0, 0, 1, 1], [], []>, transpose_lhs_hint = false} : vector<512x128xf32>, vector<128x128xf32>, vector<512x128xf32> -> vector<512x128xf32>
    %get3A_31 = arith.constant 0 : index
    %get3A_32 = arith.constant 0 : index
    %get3A_33 = vector.load %arg3[%get3A_31, %get3A_32] : memref<128x128xf32, #tpu.memory_space<vmem>>, vector<128x128xf32>
    %dot_general3A_34 = arith.constant dense<0.000000e+00> : vector<512x128xf32>
    %dot_general3A_35 = tpu.matmul %tanh3A, %get3A_33, %dot_general3A_34 {dimension_numbers = #tpu.dot_dimension_numbers<[1], [0], [0], [1], [0, 0, 1, 1], [], []>, transpose_lhs_hint = false} : vector<512x128xf32>, vector<128x128xf32>, vector<512x128xf32> -> vector<512x128xf32>
    %add3A_36 = arith.addf %dot_general3A_30, %dot_general3A_35 : vector<512x128xf32>
    %get3A_37 = arith.constant 0 : index
    %get3A_38 = arith.constant 0 : index
    %get3A_39 = vector.load %arg4[%get3A_37, %get3A_38] : memref<1x128xf32, #tpu.memory_space<vmem>>, vector<1x128xf32>
    %add3A_40 = vector.broadcast %get3A_39 : vector<1x128xf32> to vector<512x128xf32>
    %add3A_41 = arith.addf %add3A_36, %add3A_40 : vector<512x128xf32>
    %tanh3A_42 = math.tanh %add3A_41 : vector<512x128xf32>
    %swap3A_43 = arith.constant 512 : index
    %swap3A_44 = arith.constant 0 : index
    %swap3A_45 = vector.load %arg5[%swap3A_43, %swap3A_44] : memref<4096x128xf32, #tpu.memory_space<vmem>>, vector<512x128xf32>
    tpu.vector_store %arg5[%swap3A_43, %swap3A_44], %tanh3A_42 {strides = array<i32>} : memref<4096x128xf32, #tpu.memory_space<vmem>>, vector<512x128xf32>,
    %get3A_46 = arith.constant 1024 : index
    %get3A_47 = arith.constant 0 : index
    %get3A_48 = vector.load %arg1[%get3A_46, %get3A_47] : memref<4096x128xf32, #tpu.memory_space<vmem>>, vector<512x128xf32>
    %get3A_49 = arith.constant 0 : index
    %get3A_50 = arith.constant 0 : index
    %get3A_51 = vector.load %arg2[%get3A_49, %get3A_50] : memref<128x128xf32, #tpu.memory_space<vmem>>, vector<128x128xf32>
    %dot_general3A_52 = arith.constant dense<0.000000e+00> : vector<512x128xf32>
    %dot_general3A_53 = tpu.matmul %get3A_48, %get3A_51, %dot_general3A_52 {dimension_numbers = #tpu.dot_dimension_numbers<[1], [0], [0], [1], [0, 0, 1, 1], [], []>, transpose_lhs_hint = false} : vector<512x128xf32>, vector<128x128xf32>, vector<512x128xf32> -> vector<512x128xf32>
    %get3A_54 = arith.constant 0 : index
    %get3A_55 = arith.constant 0 : index
    %get3A_56 = vector.load %arg3[%get3A_54, %get3A_55] : memref<128x128xf32, #tpu.memory_space<vmem>>, vector<128x128xf32>
    %dot_general3A_57 = arith.constant dense<0.000000e+00> : vector<512x128xf32>
    %dot_general3A_58 = tpu.matmul %tanh3A_42, %get3A_56, %dot_general3A_57 {dimension_numbers = #tpu.dot_dimension_numbers<[1], [0], [0], [1], [0, 0, 1, 1], [], []>, transpose_lhs_hint = false} : vector<512x128xf32>, vector<128x128xf32>, vector<512x128xf32> -> vector<512x128xf32>
    %add3A_59 = arith.addf %dot_general3A_53, %dot_general3A_58 : vector<512x128xf32>
    %get3A_60 = arith.constant 0 : index
    %get3A_61 = arith.constant 0 : index
    %get3A_62 = vector.load %arg4[%get3A_60, %get3A_61] : memref<1x128xf32, #tpu.memory_space<vmem>>, vector<1x128xf32>
    %add3A_63 = vector.broadcast %get3A_62 : vector<1x128xf32> to vector<512x128xf32>
    %add3A_64 = arith.addf %add3A_59, %add3A_63 : vector<512x128xf32>
    %tanh3A_65 = math.tanh %add3A_64 : vector<512x128xf32>
    %swap3A_66 = arith.constant 1024 : index
    %swap3A_67 = arith.constant 0 : index
    %swap3A_68 = vector.load %arg5[%swap3A_66, %swap3A_67] : memref<4096x128xf32, #tpu.memory_space<vmem>>, vector<512x128xf32>
    tpu.vector_store %arg5[%swap3A_66, %swap3A_67], %tanh3A_65 {strides = array<i32>} : memref<4096x128xf32, #tpu.memory_space<vmem>>, vector<512x128xf32>,
    %get3A_69 = arith.constant 1536 : index
    %get3A_70 = arith.constant 0 : index
    %get3A_71 = vector.load %arg1[%get3A_69, %get3A_70] : memref<4096x128xf32, #tpu.memory_space<vmem>>, vector<512x128xf32>
    %get3A_72 = arith.constant 0 : index
    %get3A_73 = arith.constant 0 : index
    %get3A_74 = vector.load %arg2[%get3A_72, %get3A_73] : memref<128x128xf32, #tpu.memory_space<vmem>>, vector<128x128xf32>
    %dot_general3A_75 = arith.constant dense<0.000000e+00> : vector<512x128xf32>
    %dot_general3A_76 = tpu.matmul %get3A_71, %get3A_74, %dot_general3A_75 {dimension_numbers = #tpu.dot_dimension_numbers<[1], [0], [0], [1], [0, 0, 1, 1], [], []>, transpose_lhs_hint = false} : vector<512x128xf32>, vector<128x128xf32>, vector<512x128xf32> -> vector<512x128xf32>
    %get3A_77 = arith.constant 0 : index
    %get3A_78 = arith.constant 0 : index
    %get3A_79 = vector.load %arg3[%get3A_77, %get3A_78] : memref<128x128xf32, #tpu.memory_space<vmem>>, vector<128x128xf32>
    %dot_general3A_80 = arith.constant dense<0.000000e+00> : vector<512x128xf32>
    %dot_general3A_81 = tpu.matmul %tanh3A_65, %get3A_79, %dot_general3A_80 {dimension_numbers = #tpu.dot_dimension_numbers<[1], [0], [0], [1], [0, 0, 1, 1], [], []>, transpose_lhs_hint = false} : vector<512x128xf32>, vector<128x128xf32>, vector<512x128xf32> -> vector<512x128xf32>
    %add3A_82 = arith.addf %dot_general3A_76, %dot_general3A_81 : vector<512x128xf32>
    %get3A_83 = arith.constant 0 : index
    %get3A_84 = arith.constant 0 : index
    %get3A_85 = vector.load %arg4[%get3A_83, %get3A_84] : memref<1x128xf32, #tpu.memory_space<vmem>>, vector<1x128xf32>
    %add3A_86 = vector.broadcast %get3A_85 : vector<1x128xf32> to vector<512x128xf32>
    %add3A_87 = arith.addf %add3A_82, %add3A_86 : vector<512x128xf32>
    %tanh3A_88 = math.tanh %add3A_87 : vector<512x128xf32>
    %swap3A_89 = arith.constant 1536 : index
    %swap3A_90 = arith.constant 0 : index
    %swap3A_91 = vector.load %arg5[%swap3A_89, %swap3A_90] : memref<4096x128xf32, #tpu.memory_space<vmem>>, vector<512x128xf32>
    tpu.vector_store %arg5[%swap3A_89, %swap3A_90], %tanh3A_88 {strides = array<i32>} : memref<4096x128xf32, #tpu.memory_space<vmem>>, vector<512x128xf32>,
    %get3A_92 = arith.constant 2048 : index
    %get3A_93 = arith.constant 0 : index
    %get3A_94 = vector.load %arg1[%get3A_92, %get3A_93] : memref<4096x128xf32, #tpu.memory_space<vmem>>, vector<512x128xf32>
    %get3A_95 = arith.constant 0 : index
    %get3A_96 = arith.constant 0 : index
    %get3A_97 = vector.load %arg2[%get3A_95, %get3A_96] : memref<128x128xf32, #tpu.memory_space<vmem>>, vector<128x128xf32>
    %dot_general3A_98 = arith.constant dense<0.000000e+00> : vector<512x128xf32>
    %dot_general3A_99 = tpu.matmul %get3A_94, %get3A_97, %dot_general3A_98 {dimension_numbers = #tpu.dot_dimension_numbers<[1], [0], [0], [1], [0, 0, 1, 1], [], []>, transpose_lhs_hint = false} : vector<512x128xf32>, vector<128x128xf32>, vector<512x128xf32> -> vector<512x128xf32>
    %get3A_100 = arith.constant 0 : index
    %get3A_101 = arith.constant 0 : index
    %get3A_102 = vector.load %arg3[%get3A_100, %get3A_101] : memref<128x128xf32, #tpu.memory_space<vmem>>, vector<128x128xf32>
    %dot_general3A_103 = arith.constant dense<0.000000e+00> : vector<512x128xf32>
    %dot_general3A_104 = tpu.matmul %tanh3A_88, %get3A_102, %dot_general3A_103 {dimension_numbers = #tpu.dot_dimension_numbers<[1], [0], [0], [1], [0, 0, 1, 1], [], []>, transpose_lhs_hint = false} : vector<512x128xf32>, vector<128x128xf32>, vector<512x128xf32> -> vector<512x128xf32>
    %add3A_105 = arith.addf %dot_general3A_99, %dot_general3A_104 : vector<512x128xf32>
    %get3A_106 = arith.constant 0 : index
    %get3A_107 = arith.constant 0 : index
    %get3A_108 = vector.load %arg4[%get3A_106, %get3A_107] : memref<1x128xf32, #tpu.memory_space<vmem>>, vector<1x128xf32>
    %add3A_109 = vector.broadcast %get3A_108 : vector<1x128xf32> to vector<512x128xf32>
    %add3A_110 = arith.addf %add3A_105, %add3A_109 : vector<512x128xf32>
    %tanh3A_111 = math.tanh %add3A_110 : vector<512x128xf32>
    %swap3A_112 = arith.constant 2048 : index
    %swap3A_113 = arith.constant 0 : index
    %swap3A_114 = vector.load %arg5[%swap3A_112, %swap3A_113] : memref<4096x128xf32, #tpu.memory_space<vmem>>, vector<512x128xf32>
    tpu.vector_store %arg5[%swap3A_112, %swap3A_113], %tanh3A_111 {strides = array<i32>} : memref<4096x128xf32, #tpu.memory_space<vmem>>, vector<512x128xf32>,
    %get3A_115 = arith.constant 2560 : index
    %get3A_116 = arith.constant 0 : index
    %get3A_117 = vector.load %arg1[%get3A_115, %get3A_116] : memref<4096x128xf32, #tpu.memory_space<vmem>>, vector<512x128xf32>
    %get3A_118 = arith.constant 0 : index
    %get3A_119 = arith.constant 0 : index
    %get3A_120 = vector.load %arg2[%get3A_118, %get3A_119] : memref<128x128xf32, #tpu.memory_space<vmem>>, vector<128x128xf32>
    %dot_general3A_121 = arith.constant dense<0.000000e+00> : vector<512x128xf32>
    %dot_general3A_122 = tpu.matmul %get3A_117, %get3A_120, %dot_general3A_121 {dimension_numbers = #tpu.dot_dimension_numbers<[1], [0], [0], [1], [0, 0, 1, 1], [], []>, transpose_lhs_hint = false} : vector<512x128xf32>, vector<128x128xf32>, vector<512x128xf32> -> vector<512x128xf32>
    %get3A_123 = arith.constant 0 : index
    %get3A_124 = arith.constant 0 : index
    %get3A_125 = vector.load %arg3[%get3A_123, %get3A_124] : memref<128x128xf32, #tpu.memory_space<vmem>>, vector<128x128xf32>
    %dot_general3A_126 = arith.constant dense<0.000000e+00> : vector<512x128xf32>
    %dot_general3A_127 = tpu.matmul %tanh3A_111, %get3A_125, %dot_general3A_126 {dimension_numbers = #tpu.dot_dimension_numbers<[1], [0], [0], [1], [0, 0, 1, 1], [], []>, transpose_lhs_hint = false} : vector<512x128xf32>, vector<128x128xf32>, vector<512x128xf32> -> vector<512x128xf32>
    %add3A_128 = arith.addf %dot_general3A_122, %dot_general3A_127 : vector<512x128xf32>
    %get3A_129 = arith.constant 0 : index
    %get3A_130 = arith.constant 0 : index
    %get3A_131 = vector.load %arg4[%get3A_129, %get3A_130] : memref<1x128xf32, #tpu.memory_space<vmem>>, vector<1x128xf32>
    %add3A_132 = vector.broadcast %get3A_131 : vector<1x128xf32> to vector<512x128xf32>
    %add3A_133 = arith.addf %add3A_128, %add3A_132 : vector<512x128xf32>
    %tanh3A_134 = math.tanh %add3A_133 : vector<512x128xf32>
    %swap3A_135 = arith.constant 2560 : index
    %swap3A_136 = arith.constant 0 : index
    %swap3A_137 = vector.load %arg5[%swap3A_135, %swap3A_136] : memref<4096x128xf32, #tpu.memory_space<vmem>>, vector<512x128xf32>
    tpu.vector_store %arg5[%swap3A_135, %swap3A_136], %tanh3A_134 {strides = array<i32>} : memref<4096x128xf32, #tpu.memory_space<vmem>>, vector<512x128xf32>,
    %get3A_138 = arith.constant 3072 : index
    %get3A_139 = arith.constant 0 : index
    %get3A_140 = vector.load %arg1[%get3A_138, %get3A_139] : memref<4096x128xf32, #tpu.memory_space<vmem>>, vector<512x128xf32>
    %get3A_141 = arith.constant 0 : index
    %get3A_142 = arith.constant 0 : index
    %get3A_143 = vector.load %arg2[%get3A_141, %get3A_142] : memref<128x128xf32, #tpu.memory_space<vmem>>, vector<128x128xf32>
    %dot_general3A_144 = arith.constant dense<0.000000e+00> : vector<512x128xf32>
    %dot_general3A_145 = tpu.matmul %get3A_140, %get3A_143, %dot_general3A_144 {dimension_numbers = #tpu.dot_dimension_numbers<[1], [0], [0], [1], [0, 0, 1, 1], [], []>, transpose_lhs_hint = false} : vector<512x128xf32>, vector<128x128xf32>, vector<512x128xf32> -> vector<512x128xf32>
    %get3A_146 = arith.constant 0 : index
    %get3A_147 = arith.constant 0 : index
    %get3A_148 = vector.load %arg3[%get3A_146, %get3A_147] : memref<128x128xf32, #tpu.memory_space<vmem>>, vector<128x128xf32>
    %dot_general3A_149 = arith.constant dense<0.000000e+00> : vector<512x128xf32>
    %dot_general3A_150 = tpu.matmul %tanh3A_134, %get3A_148, %dot_general3A_149 {dimension_numbers = #tpu.dot_dimension_numbers<[1], [0], [0], [1], [0, 0, 1, 1], [], []>, transpose_lhs_hint = false} : vector<512x128xf32>, vector<128x128xf32>, vector<512x128xf32> -> vector<512x128xf32>
    %add3A_151 = arith.addf %dot_general3A_145, %dot_general3A_150 : vector<512x128xf32>
    %get3A_152 = arith.constant 0 : index
    %get3A_153 = arith.constant 0 : index
    %get3A_154 = vector.load %arg4[%get3A_152, %get3A_153] : memref<1x128xf32, #tpu.memory_space<vmem>>, vector<1x128xf32>
    %add3A_155 = vector.broadcast %get3A_154 : vector<1x128xf32> to vector<512x128xf32>
    %add3A_156 = arith.addf %add3A_151, %add3A_155 : vector<512x128xf32>
    %tanh3A_157 = math.tanh %add3A_156 : vector<512x128xf32>
    %swap3A_158 = arith.constant 3072 : index
    %swap3A_159 = arith.constant 0 : index
    %swap3A_160 = vector.load %arg5[%swap3A_158, %swap3A_159] : memref<4096x128xf32, #tpu.memory_space<vmem>>, vector<512x128xf32>
    tpu.vector_store %arg5[%swap3A_158, %swap3A_159], %tanh3A_157 {strides = array<i32>} : memref<4096x128xf32, #tpu.memory_space<vmem>>, vector<512x128xf32>,
    %get3A_161 = arith.constant 3584 : index
    %get3A_162 = arith.constant 0 : index
    %get3A_163 = vector.load %arg1[%get3A_161, %get3A_162] : memref<4096x128xf32, #tpu.memory_space<vmem>>, vector<512x128xf32>
    %get3A_164 = arith.constant 0 : index
    %get3A_165 = arith.constant 0 : index
    %get3A_166 = vector.load %arg2[%get3A_164, %get3A_165] : memref<128x128xf32, #tpu.memory_space<vmem>>, vector<128x128xf32>
    %dot_general3A_167 = arith.constant dense<0.000000e+00> : vector<512x128xf32>
    %dot_general3A_168 = tpu.matmul %get3A_163, %get3A_166, %dot_general3A_167 {dimension_numbers = #tpu.dot_dimension_numbers<[1], [0], [0], [1], [0, 0, 1, 1], [], []>, transpose_lhs_hint = false} : vector<512x128xf32>, vector<128x128xf32>, vector<512x128xf32> -> vector<512x128xf32>
    %get3A_169 = arith.constant 0 : index
    %get3A_170 = arith.constant 0 : index
    %get3A_171 = vector.load %arg3[%get3A_169, %get3A_170] : memref<128x128xf32, #tpu.memory_space<vmem>>, vector<128x128xf32>
    %dot_general3A_172 = arith.constant dense<0.000000e+00> : vector<512x128xf32>
    %dot_general3A_173 = tpu.matmul %tanh3A_157, %get3A_171, %dot_general3A_172 {dimension_numbers = #tpu.dot_dimension_numbers<[1], [0], [0], [1], [0, 0, 1, 1], [], []>, transpose_lhs_hint = false} : vector<512x128xf32>, vector<128x128xf32>, vector<512x128xf32> -> vector<512x128xf32>
    %add3A_174 = arith.addf %dot_general3A_168, %dot_general3A_173 : vector<512x128xf32>
    %get3A_175 = arith.constant 0 : index
    %get3A_176 = arith.constant 0 : index
    %get3A_177 = vector.load %arg4[%get3A_175, %get3A_176] : memref<1x128xf32, #tpu.memory_space<vmem>>, vector<1x128xf32>
    %add3A_178 = vector.broadcast %get3A_177 : vector<1x128xf32> to vector<512x128xf32>
    %add3A_179 = arith.addf %add3A_174, %add3A_178 : vector<512x128xf32>
    %tanh3A_180 = math.tanh %add3A_179 : vector<512x128xf32>
    %swap3A_181 = arith.constant 3584 : index
    %swap3A_182 = arith.constant 0 : index
    %swap3A_183 = vector.load %arg5[%swap3A_181, %swap3A_182] : memref<4096x128xf32, #tpu.memory_space<vmem>>, vector<512x128xf32>
    tpu.vector_store %arg5[%swap3A_181, %swap3A_182], %tanh3A_180 {strides = array<i32>} : memref<4096x128xf32, #tpu.memory_space<vmem>>, vector<512x128xf32>,
    %eq3A_184 = arith.constant 6 : i32
    %eq3A_185 = arith.cmpi eq, %arg0, %eq3A_184 : i32
    %convert_element_type3A_186 = arith.extui %eq3A_185 : i1 to i32
    %cond3A_187 = arith.constant 0 : i32
    %cond3A_188 = arith.cmpi ne, %convert_element_type3A_186, %cond3A_187 : i32
    scf.if %cond3A_188 {
      %swap3A_192 = arith.constant 0 : index
      %swap3A_193 = arith.constant 0 : index
      %swap3A_194 = vector.load %arg6[%swap3A_192, %swap3A_193] : memref<512x128xf32, #tpu.memory_space<vmem>>, vector<512x128xf32>
      tpu.vector_store %arg6[%swap3A_192, %swap3A_193], %tanh3A_42 {strides = array<i32>} : memref<512x128xf32, #tpu.memory_space<vmem>>, vector<512x128xf32>,
    } else {
    }
    %swap3A_189 = arith.constant 0 : index
    %swap3A_190 = arith.constant 0 : index
    %swap3A_191 = vector.load %arg7[%swap3A_189, %swap3A_190] : memref<512x128xf32, #tpu.memory_space<vmem>>, vector<512x128xf32>
    tpu.vector_store %arg7[%swap3A_189, %swap3A_190], %tanh3A_180 {strides = array<i32>} : memref<512x128xf32, #tpu.memory_space<vmem>>, vector<512x128xf32>,
    return
  }
  func.func @transform_0(%arg0: i32) -> (i32, i32) {
    %c0_i32 = arith.constant 0 : i32
    %c0_i32_0 = arith.constant 0 : i32
    return %arg0, %c0_i32 : i32, i32
  }
  func.func @transform_1(%arg0: i32) -> (i32, i32) {
    %c0_i32 = arith.constant 0 : i32
    %c0_i32_0 = arith.constant 0 : i32
    %c0_i32_1 = arith.constant 0 : i32
    return %c0_i32, %c0_i32_0 : i32, i32
  }
  func.func @transform_2(%arg0: i32) -> (i32, i32) {
    %c0_i32 = arith.constant 0 : i32
    %c0_i32_0 = arith.constant 0 : i32
    %c0_i32_1 = arith.constant 0 : i32
    return %c0_i32, %c0_i32_0 : i32, i32
  }
  func.func @transform_3(%arg0: i32) -> (i32, i32) {
    %c0_i32 = arith.constant 0 : i32
    %c0_i32_0 = arith.constant 0 : i32
    %c0_i32_1 = arith.constant 0 : i32
    return %c0_i32, %c0_i32_0 : i32, i32
  }
  func.func @transform_4(%arg0: i32) -> (i32, i32) {
    %c0_i32 = arith.constant 0 : i32
    %c0_i32_0 = arith.constant 0 : i32
    return %arg0, %c0_i32 : i32, i32
  }
  func.func @transform_5(%arg0: i32) -> (i32, i32) {
    %c0_i32 = arith.constant 0 : i32
    %c0_i32_0 = arith.constant 0 : i32
    %c0_i32_1 = arith.constant 0 : i32
    return %c0_i32, %c0_i32_0 : i32, i32
  }
}

</mosaic_0001>

<sc_bundles>
// kernel: kernel.5.cloned.1.call-start
scs
__scs_entry_jumppad:
0x0: {  	(pc) =	sbr.rel $0x88, $3  }
0x1: {  	(tag) =	ssettag $0x0;
	lr =	simm.s32 $0x1  }
0x2: {  	[smem:$0x3F9B] =	sst lr;
	_ =	strace $0xD0000000  }
0x3: {  	_ = 	snop  }
0x4: {  	_ = 	snop  }
0x5: {  	_ = 	snop  }
0x6: {  	_ = 	snop  }
0x7: {  	_ = 	snop  }
__scs_overlays_trampoline_lowered:
0x8: {  	[smem:$0x3FAA] =	sst s0  }
0x9: {  	[smem:$0x3FAB] =	sst s1  }
0xa: {  	[smem:$0x3FAC] =	sst s2  }
0xb: {  	[smem:$0x3FAD] =	sst s3  }
0xc: {  	[smem:$0x3FAE] =	sst s4  }
0xd: {  	[smem:$0x3FAF] =	sst s5  }
0xe: {  	[smem:$0x3FB0] =	sst s6  }
0xf: {  	[smem:$0x3FB1] =	sst s7  }
0x10: {  	[smem:$0x3FB2] =	sst s8  }
0x11: {  	[smem:$0x3FB3] =	sst s9;
	s0 =	simm.s32 @!p0 $0x0  }
0x12: {  	s1 =	sld [smem:$0x3F99];
	s0 =	simm.s32 @p0 $0x1  }
0x13: {  	[smem:$0x3FB4] =	sst s0;
	s0 =	simm.s32 @!p1 $0x0  }
0x14: {  	s2 =	sld [smem:$0x3F98];
	s0 =	simm.s32 @p1 $0x1  }
0x15: {  	[smem:$0x3FB5] =	sst s0;
	s0 =	simm.s32 @!p2 $0x0  }
0x16: {  	s3 =	sld [smem:$0x3FDB];
	s0 =	simm.s32 @p2 $0x1  }
0x17: {  	s4 =	simm.s32 $0x1BF5;
	[smem:$0x3FB7] =	sst s0  }
0x18: {  	s0 =	sld [smem:$0x3F9A];
	_ =	swait.ge [sflag:s4], $0x0  }
0x19: {  	s7 =	sld [smem:$0x3F9B]  }
0x1a: {  	s8 =	sadd.s32 $0xFFFFE003, lr  }
0x1b: {  	s9 =	sadd.s32 $0xFFFFFEF7, lr;
	s5 =	simm.s32 $0xFFFFFFFF;
	p2 =	slt.u32 s8, $0xFFFFF086  }
0x1c: {  	p1 =	slt.u32 s9, $0xF7A;
	s5 =	simm.s32 @!p2 $0x0  }
0x1d: {  	s5 =	simm.s32 @p1 $0x1;
	p0 =	seq.s32 s7, s2  }
0x1e: {  	s7 =	smul.u32 @!p0 $0xF7A, s2;
	p2 =	seq.s32 @!p0 s5, $0x0  }
0x1f: {  	s9 =	smul.u32 $0xF7A, s1;
	s8 =	simm.s32 @!p0 $0x1BF5;
	p2 =	por !p2, p0  }
0x20: {  	[sflag:s8] =	ssyncset.s32 @!p0 $0xFFFFF086;
	s6 =	sadd.s32 @!p0 s3, s7;
	s7 =	simm.s32 @!p0 $0x108  }
0x21: {  	s3 =	sadd.s32 s3, s9;
	s6 =	sadd.s32 @!p0 $0x88, s6;
	s7 =	simm.s32 @p2 $0x1082  }
0x22: {  	[simem:s7], [sflag:s8] =	dma.local @!p0 [hbm:s6], $0xF7A  }
0x23: {  	s9 =	sor.u32 $0xD0000000, s2;
	s6 =	simm.s32 $0x108;
	_ =	swait.ge @!p0 [sflag:s8], $0x0  }
0x24: {  	s3 =	sadd.s32 $0x88, s3;
	s6 =	simm.s32 @!p1 $0x1082;
	[sflag:s4] =	ssyncset.s32 $0xFFFFF086  }
0x25: {  	[simem:s6], [sflag:s4] =	dma.local [hbm:s3], $0xF7A  }
0x26: {  	[smem:$0x3F9B] =	sst s1;
	(tag) =	ssettag s2;
	_ =	strace s9  }
0x27: {  	s1 =	sld [smem:$0x3FAB]  }
0x28: {  	s2 =	sld [smem:$0x3FAC]  }
0x29: {  	s4 =	sld [smem:$0x3FAE]  }
0x2a: {  	p0 =	seq.s32 s5, $0x0;
	s5 =	sld [smem:$0x3FAF]  }
0x2b: {  	s6 =	sld [smem:$0x3FB0]  }
0x2c: {  	s7 =	sld [smem:$0x3FB1]  }
0x2d: {  	s3 =	simm.s32 $0x108;
	s8 =	sld [smem:$0x3FB2]  }
0x2e: {  	s3 =	simm.s32 @!p0 $0x1082;
	s9 =	sld [smem:$0x3FB3]  }
0x2f: {  	lr =	sadd.s32 s0, s3;
	s0 =	sld [smem:$0x3FAA]  }
0x30: {  	s3 =	sld [smem:$0x3FAD]  }
0x31: {  	[smem:$0x3FB6] =	sst s10  }
0x32: {  	s10 =	sld [smem:$0x3FB4];
	_ =	sdelay $0x3  }
0x33: {  	p0 =	seq.s32 s10, $0x1;
	s10 =	sld [smem:$0x3FB6];
	_ =	sdelay $0x3  }
0x34: {  	[smem:$0x3FB6] =	sst s10  }
0x35: {  	s10 =	sld [smem:$0x3FB5];
	_ =	sdelay $0x3  }
0x36: {  	p1 =	seq.s32 s10, $0x1;
	s10 =	sld [smem:$0x3FB6];
	_ =	sdelay $0x3  }
0x37: {  	[smem:$0x3FB6] =	sst s10  }
0x38: {  	s10 =	sld [smem:$0x3FB7]  }
0x39: {  	_ = 	snop;
	(pc) =	sbr.ind lr, $3  }
0x3a: {  	_ = 	snop  }
0x3b: {  	_ = 	snop  }
0x3c: {  	p2 =	seq.s32 s10, $0x1;
	s10 =	sld [smem:$0x3FB6]  }
0x3d: {  	_ =	shalt  }
0x3e: {  	_ =	shalt  }
0x3f: {  	_ =	shalt  }
0x40: {  	_ =	shalt  }
0x41: {  	_ =	shalt  }
0x42: {  	_ =	shalt  }
0x43: {  	_ =	shalt  }
0x44: {  	_ =	shalt  }
0x45: {  	_ =	shalt  }
0x46: {  	_ =	shalt  }
0x47: {  	_ =	shalt  }
0x48: {  	_ =	shalt  }
0x49: {  	_ =	shalt  }
0x4a: {  	_ =	shalt  }
0x4b: {  	_ =	shalt  }
0x4c: {  	_ =	shalt  }
0x4d: {  	_ =	shalt  }
0x4e: {  	_ =	shalt  }
0x4f: {  	_ =	shalt  }
0x50: {  	_ =	shalt  }
0x51: {  	_ =	shalt  }
0x52: {  	_ =	shalt  }
0x53: {  	_ =	shalt  }
0x54: {  	_ =	shalt  }
0x55: {  	_ =	shalt  }
0x56: {  	_ =	shalt  }
0x57: {  	_ =	shalt  }
0x58: {  	_ =	shalt  }
0x59: {  	_ =	shalt  }
0x5a: {  	_ =	shalt  }
0x5b: {  	_ =	shalt  }
0x5c: {  	_ =	shalt  }
0x5d: {  	_ =	shalt  }
0x5e: {  	_ =	shalt  }
0x5f: {  	_ =	shalt  }
0x60: {  	_ =	shalt  }
0x61: {  	_ =	shalt  }
0x62: {  	_ =	shalt  }
0x63: {  	_ =	shalt  }
0x64: {  	_ =	shalt  }
0x65: {  	_ =	shalt  }
0x66: {  	_ =	shalt  }
0x67: {  	_ =	shalt  }
0x68: {  	_ =	shalt  }
0x69: {  	_ =	shalt  }
0x6a: {  	_ =	shalt  }
0x6b: {  	_ =	shalt  }
0x6c: {  	_ =	shalt  }
0x6d: {  	_ =	shalt  }
0x6e: {  	_ =	shalt  }
0x6f: {  	_ =	shalt  }
0x70: {  	_ =	shalt  }
0x71: {  	_ =	shalt  }
0x72: {  	_ =	shalt  }
0x73: {  	_ =	shalt  }
0x74: {  	_ =	shalt  }
0x75: {  	_ =	shalt  }
0x76: {  	_ =	shalt  }
0x77: {  	_ =	shalt  }
0x78: {  	_ =	shalt  }
0x79: {  	_ =	shalt  }
0x7a: {  	_ =	shalt  }
0x7b: {  	_ =	shalt  }
0x7c: {  	_ =	shalt  }
0x7d: {  	_ =	shalt  }
0x7e: {  	_ =	shalt  }
0x7f: {  	_ =	shalt  }
0x80: {  	_ =	shalt  }
0x81: {  	_ =	shalt  }
0x82: {  	_ =	shalt  }
0x83: {  	_ =	shalt  }
0x84: {  	_ =	shalt  }
0x85: {  	_ =	shalt  }
0x86: {  	_ =	shalt  }
0x87: {  	_ =	shalt  }
.Lfunc_end0:
.L_simem_size_0:
called_computation_lowered:
.L_overlay_start_0:
0x88: {  	s2 =	sld [smem:$0x3FD9]  }
0x89: {  	s3 =	sld [smem:$0x3FFE];
	_ =	sdelay $0x1  }
0x8a: {  	s1 =	srdreg.scid  }
0x8b: {  	s0 =	sand.u32 $0x1, s1  }
0x8c: {  	s14 =	sshll.u32 s0, $0xA;
	s2 =	sadd.s32 s3, s2  }
0x8d: {  	s2 =	sadd.s32 s2, s14  }
0x8e: {  	[smem:$0x3FC2] =	sst s2  }
0x8f: {  	_ = 	snop  }
0x90: {  	s2 =	sld [smem:$0x3FD0];
	_ =	sdelay $0x2  }
0x91: {  	s15 =	simm.s32 $0xA;
	s4 =	simm.s32 $0x10  }
0x92: {  	[smem:s4], [sflag:s15] =	dma.local [hbm:s2], $0x1  }
0x93: {  	_ =	swait.eq [sflag:s15], $0x1  }
0x94: {  	[sflag:s15] =	ssyncset.done $0x0  }
0x95: {  	s16 =	sld [smem:$0x10];
	[sflag:s15] =	ssyncadd.s32 $0xFFFFFFFF  }
0x96: {  	s17 =	sld [smem:$0x11];
	(tm) =	ssettm $0x1  }
0x97: {  	s18 =	sld [smem:$0x3FFB];
	_ =	sdelay $0x3  }
0x98: {  	_ =	strace s18  }
0x99: {  	s4 =	sld [smem:$0x3FFC];
	_ =	sdelay $0x3  }
0x9a: {  	_ =	strace s4  }
0x9b: {  	s4 =	sld [smem:$0x3FFD];
	_ =	sdelay $0x3  }
0x9c: {  	_ =	strace s4  }
0x9d: {  	_ =	strace $0x8FFFFFFF  }
0x9e: {  	s19 =	sld [smem:$0x3FDB];
	_ =	sdelay $0x1  }
0x9f: {  	s5 =	simm.s32 $_scs_section_size  }
0xa0: {  	s6 =	simm.s32 $_size__tile_overlayer_lowered;
	s7 =	simm.s32 $_tile_overlayer_lowered  }
0xa1: {  	s22 =	simm.s32 $0x1BFF;
	s21 =	sshll.u32 s7, $0x1;
	s4 =	sadd.s32 s5, s19  }
0xa2: {  	s8 =	simm.s32 $0x0;
	s20 =	sshll.u32 s6, $0x1;
	s6 =	sadd.s32 s21, s4  }
0xa3: {  	[timem:s8], [sflag:s22] =	dma.local [hbm:s6], s20  }
0xa4: {  	_ =	swait.ge [sflag:s22], s20  }
0xa5: {  	s5 =	ssub.s32 $0x0, s20;
	[sflag:s22] =	ssyncset.done $0x0  }
0xa6: {  	[sflag:s22] =	ssyncadd.s32 s5;
	_ =	sdelay $0x1  }
0xa7: {  	s23 =	simm.s32 $0x1B8B  }
0xa8: {  	_ =	swait.ge [sflag:s23], $0x1  }
0xa9: {  	[sflag:s23] =	ssyncset.done $0x0  }
0xaa: {  	s25 =	simm.s32 $0x1B8E;
	s24 =	sld [smem:$0x3FFE];
	[sflag:s23] =	ssyncadd.s32 $0xFFFFFFFF  }
0xab: {  	s26 =	simm.s32 $execute0_lowered;
	[smem:$0x3FD2] =	sst s25  }
0xac: {  	s6 =	sshll.u32 s26, $0x1;
	_ =	strace $0x80000046;
	[dreg:$0x1] =	wrdreg $0xFFFFFFFF  }
0xad: {  	s28 =	simm.s32 $_size_execute0_lowered;
	s4 =	sadd.s32 s4, s6;
	[dreg:$0x0] =	wrdreg $0x0  }
0xae: {  	s6 =	sshll.u32 s28, $0x1;
	[dreg:$0x2] =	wrdreg s4  }
0xaf: {  	[dreg:$0x3] =	wrdreg s6  }
0xb0: {  	[dreg:$0x4] =	wrdreg $0xC0  }
0xb1: {  	_ =	task [dreg:s8], $0x5FFFF  }
0xb2: {  	[dreg:$0x1] =	wrdreg $0xFFFFFFFF  }
0xb3: {  	[dreg:$0x0] =	wrdreg $0x60  }
0xb4: {  	[dreg:$0x2] =	wrdreg s17  }
0xb5: {  	[dreg:$0x3] =	wrdreg s24  }
0xb6: {  	[dreg:$0x4] =	wrdreg s16  }
0xb7: {  	[dreg:$0x5] =	wrdreg $0x9  }
0xb8: {  	_ =	task.clear_ibuf [dreg:s8], $0x6FFFF;
	_ =	strace $0x90000046  }
0xb9: {  	s29 =	simm.s32 $0x9;
	_ =	strace $0x80000048  }
0xba: {  	_ =	swait.ge [sflag:s29], $0x1  }
0xbb: {  	[sflag:s29] =	ssyncadd.s32 $0xFFFFFFFF  }
0xbc: {  	_ =	strace $0x90000048  }
0xbd: {  	_ =	sfence  }
0xbe: {  	s30 =	sld [smem:$0x0];
	_ =	sdelay $0x2  }
0xbf: {  	s31 =	sshll.u32 s1, $0xD;
	s1 =	sshrl.u32 s1, $0x2  }
0xc0: {  	s3 =	sand.u32 $0x4000, s31;
	s1 =	sadd.s32 s1, s30  }
0xc1: {  	s0 =	sor.u32 s3, s0;
	s1 =	sshll.u32 s1, $0x11  }
0xc2: {  	s0 =	sor.u32 s1, s0  }
0xc3: {  	s0 =	sadd.s32 $0x8F2B, s0  }
0xc4: {  	[sflag:s0] =	ssyncadd.remote.s32 $0x1  }
0xc5: {  	_ =	sfence.sel $0xFFFF  }
0xc6: {  	[dreg:$0x0] =	wrdreg $0xFFFFFFFF;
	(pc) =	sbr.abs _section_cstart, $3  }
0xc7: {  	[dreg:$0x1] =	wrdreg $0xFFFFFFFF  }
0xc8: {  	_ =	task.clear_ibuf [dreg:s8], $0x2FFFF;
	_ =	strace $0x9FFFFFFF  }
0xc9: {  	(tm) =	ssettm $0x7FFFFFFF  }
tec
execute0_lowered:
.L_overlay_start_1:
0x0: {  	(tag) =	ssettag $0x1  }
0x1: {  	s1 =	srdreg.scid;
	s0 =	stileid.u32  }
0x2: {  	s1 =	sand.u32 $0x1, s1;
	s2 =	sshll.u32 s0, $0x1  }
0x3: {  	s5 =	sor.u32 s1, s2  }
0x4: {  	s3 =	rddreg [dreg:$0x0];
	s7 =	smul.u32 $0xC8, s5  }
0x5: {  	s4 =	rddreg [dreg:$0x1];
	s2 =	simm.s32 $0x0;
	s8 =	smul.u32 $0x19000, s5  }
0x6: {  	[smem:$0x7FF] =	sst s2;
	s5 =	smul.u32 $0x3200, s5  }
0x7: {  	s6 =	rddreg [dreg:$0x2];
	_ =	strace $0x80000047;
	s3 =	sadd.s32 s3, s7  }
0x8: {  	s9 =	sshrl.u32 s8, $0x3;
	s10 =	sadd.s32 s6, s5;
	[dreg:$0x4] =	wrdreg s3  }
0x9: {  	s31 =	sadd.s32 s6, s9;
	[dreg:$0x5] =	wrdreg s10  }
0xa: {  	s11 =	sadd.s32 $0x280, s31;
	s25 =	rddreg [dreg:$0x4]  }
0xb: {  	s12 =	sadd.s32 $0x500, s31;
	[dreg:$0x6] =	wrdreg s11  }
0xc: {  	s13 =	sadd.s32 $0x780, s31;
	[dreg:$0x7] =	wrdreg s12  }
0xd: {  	s14 =	sadd.s32 $0xA00, s31;
	[dreg:$0x8] =	wrdreg s13  }
0xe: {  	s15 =	sadd.s32 $0xC80, s31;
	[dreg:$0x9] =	wrdreg s14  }
0xf: {  	s16 =	sadd.s32 $0xF00, s31;
	[dreg:$0xa] =	wrdreg s15  }
0x10: {  	s17 =	sadd.s32 $0x1180, s31;
	[dreg:$0xb] =	wrdreg s16  }
0x11: {  	s18 =	sadd.s32 $0x1400, s31;
	[dreg:$0xc] =	wrdreg s17  }
0x12: {  	s19 =	sadd.s32 $0x1680, s31;
	[dreg:$0xd] =	wrdreg s18  }
0x13: {  	s20 =	sadd.s32 $0x1900, s31;
	[dreg:$0xe] =	wrdreg s19  }
0x14: {  	s21 =	sadd.s32 $0x1B80, s31;
	[dreg:$0xf] =	wrdreg s20  }
0x15: {  	s22 =	sadd.s32 $0x1E00, s31;
	[dreg:$0x10] =	wrdreg s21  }
0x16: {  	s23 =	sadd.s32 $0x2080, s31;
	[dreg:$0x11] =	wrdreg s22  }
0x17: {  	s24 =	sadd.s32 $0x2300, s31;
	[dreg:$0x12] =	wrdreg s23  }
0x18: {  	s26 =	sadd.s32 $0x2580, s31;
	[dreg:$0x13] =	wrdreg s24  }
0x19: {  	s3 =	simm.s32 $0x2;
	[dreg:$0x14] =	wrdreg s26  }
0x1a: {  	[tilespmem:s2], [sflag:$0x2] =	stream.linear.gather [hbm4b:s25+s2], $0x640, $0x38;
	[tilespmem:$0x2E40] =	vst v63  }
0x1b: {  	_ =	swait.ge [sflag:s3], $0x640  }
0x1c: {  	s4 =	sadd.s32 $0x187C00, s4;
	[sflag:s3] =	ssyncset.done $0x0  }
0x1d: {  	s5 =	simm.s32 $0x50;
	s6 =	simm.s32 $0x640;
	[sflag:s3] =	ssyncadd.s32 $0xFFFFF9C0  }
0x1e: {  	[tilespmem:s6], [sflag:$0x1] =	stream.indirect.gather [hbm4b:s4+s5], $0x40, s2, s5, $0xb8;
	[tilespmem:$0x2E40] =	vst v63  }
0x1f: {  	s7 =	simm.s32 $0x1A40;
	s8 =	simm.s32 $0x1  }
0x20: {  	[tilespmem:s7], [sflag:$0x1] =	stream.indirect.gather [hbm4b:s4+s5], $0x40, s5, s5, $0xb8;
	[tilespmem:$0x2E40] =	vst v63  }
0x21: {  	_ =	swait.ge [sflag:s8], $0x1400  }
0x22: {  	[sflag:s8] =	ssyncset.done $0x0  }
0x23: {  	s9 =	rddreg [dreg:$0x5];
	[sflag:s8] =	ssyncadd.s32 $0xFFFFEC00  }
0x24: {  	[hbm4b:s9+s2] =	stream.linear.scatter [tilespmem:s6], [sflag:$0x2], $0x1400, $0x38;
	[tilespmem:$0x2E40] =	vst v63  }
0x25: {  	_ =	swait.ge [sflag:s3], $0x1400  }
0x26: {  	[sflag:s3] =	ssyncset.done $0x0  }
0x27: {  	s9 =	simm.s32 $0xA0;
	[sflag:s3] =	ssyncadd.s32 $0xFFFFEC00  }
0x28: {  	[tilespmem:s6], [sflag:$0x1] =	stream.indirect.gather [hbm4b:s4+s5], $0x40, s9, s5, $0xb8;
	[tilespmem:$0x2E40] =	vst v63  }
0x29: {  	_ =	swait.ge [sflag:s8], $0x1400  }
0x2a: {  	[sflag:s8] =	ssyncset.done $0x0  }
0x2b: {  	s10 =	rddreg [dreg:$0x6];
	[sflag:s8] =	ssyncadd.s32 $0xFFFFEC00  }
0x2c: {  	[hbm4b:s10+s2] =	stream.linear.scatter [tilespmem:s7], [sflag:$0x2], $0x1400, $0x38;
	[tilespmem:$0x2E40] =	vst v63  }
0x2d: {  	_ =	swait.ge [sflag:s3], $0x1400  }
0x2e: {  	[sflag:s3] =	ssyncset.done $0x0  }
0x2f: {  	s10 =	simm.s32 $0xF0;
	[sflag:s3] =	ssyncadd.s32 $0xFFFFEC00  }
0x30: {  	[tilespmem:s7], [sflag:$0x1] =	stream.indirect.gather [hbm4b:s4+s5], $0x40, s10, s5, $0xb8;
	[tilespmem:$0x2E40] =	vst v63  }
0x31: {  	_ =	swait.ge [sflag:s8], $0x1400  }
0x32: {  	[sflag:s8] =	ssyncset.done $0x0  }
0x33: {  	s11 =	rddreg [dreg:$0x7];
	[sflag:s8] =	ssyncadd.s32 $0xFFFFEC00  }
0x34: {  	[hbm4b:s11+s2] =	stream.linear.scatter [tilespmem:s6], [sflag:$0x2], $0x1400, $0x38;
	[tilespmem:$0x2E40] =	vst v63  }
0x35: {  	_ =	swait.ge [sflag:s3], $0x1400  }
0x36: {  	[sflag:s3] =	ssyncset.done $0x0  }
0x37: {  	s11 =	simm.s32 $0x140;
	[sflag:s3] =	ssyncadd.s32 $0xFFFFEC00  }
0x38: {  	[tilespmem:s6], [sflag:$0x1] =	stream.indirect.gather [hbm4b:s4+s5], $0x40, s11, s5, $0xb8;
	[tilespmem:$0x2E40] =	vst v63  }
0x39: {  	_ =	swait.ge [sflag:s8], $0x1400  }
0x3a: {  	[sflag:s8] =	ssyncset.done $0x0  }
0x3b: {  	s12 =	rddreg [dreg:$0x8];
	[sflag:s8] =	ssyncadd.s32 $0xFFFFEC00  }
0x3c: {  	[hbm4b:s12+s2] =	stream.linear.scatter [tilespmem:s7], [sflag:$0x2], $0x1400, $0x38;
	[tilespmem:$0x2E40] =	vst v63  }
0x3d: {  	_ =	swait.ge [sflag:s3], $0x1400  }
0x3e: {  	[sflag:s3] =	ssyncset.done $0x0  }
0x3f: {  	s12 =	simm.s32 $0x190;
	[sflag:s3] =	ssyncadd.s32 $0xFFFFEC00  }
0x40: {  	[tilespmem:s7], [sflag:$0x1] =	stream.indirect.gather [hbm4b:s4+s5], $0x40, s12, s5, $0xb8;
	[tilespmem:$0x2E40] =	vst v63  }
0x41: {  	_ =	swait.ge [sflag:s8], $0x1400  }
0x42: {  	[sflag:s8] =	ssyncset.done $0x0  }
0x43: {  	s13 =	rddreg [dreg:$0x9];
	[sflag:s8] =	ssyncadd.s32 $0xFFFFEC00  }
0x44: {  	[hbm4b:s13+s2] =	stream.linear.scatter [tilespmem:s6], [sflag:$0x2], $0x1400, $0x38;
	[tilespmem:$0x2E40] =	vst v63  }
0x45: {  	_ =	swait.ge [sflag:s3], $0x1400  }
0x46: {  	[sflag:s3] =	ssyncset.done $0x0  }
0x47: {  	s13 =	simm.s32 $0x1E0;
	[sflag:s3] =	ssyncadd.s32 $0xFFFFEC00  }
0x48: {  	[tilespmem:s6], [sflag:$0x1] =	stream.indirect.gather [hbm4b:s4+s5], $0x40, s13, s5, $0xb8;
	[tilespmem:$0x2E40] =	vst v63  }
0x49: {  	_ =	swait.ge [sflag:s8], $0x1400  }
0x4a: {  	[sflag:s8] =	ssyncset.done $0x0  }
0x4b: {  	s14 =	rddreg [dreg:$0xa];
	[sflag:s8] =	ssyncadd.s32 $0xFFFFEC00  }
0x4c: {  	[hbm4b:s14+s2] =	stream.linear.scatter [tilespmem:s7], [sflag:$0x2], $0x1400, $0x38;
	[tilespmem:$0x2E40] =	vst v63  }
0x4d: {  	_ =	swait.ge [sflag:s3], $0x1400  }
0x4e: {  	[sflag:s3] =	ssyncset.done $0x0  }
0x4f: {  	s14 =	simm.s32 $0x230;
	[sflag:s3] =	ssyncadd.s32 $0xFFFFEC00  }
0x50: {  	[tilespmem:s7], [sflag:$0x1] =	stream.indirect.gather [hbm4b:s4+s5], $0x40, s14, s5, $0xb8;
	[tilespmem:$0x2E40] =	vst v63  }
0x51: {  	_ =	swait.ge [sflag:s8], $0x1400  }
0x52: {  	[sflag:s8] =	ssyncset.done $0x0  }
0x53: {  	s15 =	rddreg [dreg:$0xb];
	[sflag:s8] =	ssyncadd.s32 $0xFFFFEC00  }
0x54: {  	[hbm4b:s15+s2] =	stream.linear.scatter [tilespmem:s6], [sflag:$0x2], $0x1400, $0x38;
	[tilespmem:$0x2E40] =	vst v63  }
0x55: {  	_ =	swait.ge [sflag:s3], $0x1400  }
0x56: {  	[sflag:s3] =	ssyncset.done $0x0  }
0x57: {  	s15 =	simm.s32 $0x280;
	[sflag:s3] =	ssyncadd.s32 $0xFFFFEC00  }
0x58: {  	[tilespmem:s6], [sflag:$0x1] =	stream.indirect.gather [hbm4b:s4+s5], $0x40, s15, s5, $0xb8;
	[tilespmem:$0x2E40] =	vst v63  }
0x59: {  	_ =	swait.ge [sflag:s8], $0x1400  }
0x5a: {  	[sflag:s8] =	ssyncset.done $0x0  }
0x5b: {  	s16 =	rddreg [dreg:$0xc];
	[sflag:s8] =	ssyncadd.s32 $0xFFFFEC00  }
0x5c: {  	[hbm4b:s16+s2] =	stream.linear.scatter [tilespmem:s7], [sflag:$0x2], $0x1400, $0x38;
	[tilespmem:$0x2E40] =	vst v63  }
0x5d: {  	_ =	swait.ge [sflag:s3], $0x1400  }
0x5e: {  	[sflag:s3] =	ssyncset.done $0x0  }
0x5f: {  	s16 =	simm.s32 $0x2D0;
	[sflag:s3] =	ssyncadd.s32 $0xFFFFEC00  }
0x60: {  	[tilespmem:s7], [sflag:$0x1] =	stream.indirect.gather [hbm4b:s4+s5], $0x40, s16, s5, $0xb8;
	[tilespmem:$0x2E40] =	vst v63  }
0x61: {  	_ =	swait.ge [sflag:s8], $0x1400  }
0x62: {  	[sflag:s8] =	ssyncset.done $0x0  }
0x63: {  	s17 =	rddreg [dreg:$0xd];
	[sflag:s8] =	ssyncadd.s32 $0xFFFFEC00  }
0x64: {  	[hbm4b:s17+s2] =	stream.linear.scatter [tilespmem:s6], [sflag:$0x2], $0x1400, $0x38;
	[tilespmem:$0x2E40] =	vst v63  }
0x65: {  	_ =	swait.ge [sflag:s3], $0x1400  }
0x66: {  	[sflag:s3] =	ssyncset.done $0x0  }
0x67: {  	s17 =	simm.s32 $0x320;
	[sflag:s3] =	ssyncadd.s32 $0xFFFFEC00  }
0x68: {  	[tilespmem:s6], [sflag:$0x1] =	stream.indirect.gather [hbm4b:s4+s5], $0x40, s17, s5, $0xb8;
	[tilespmem:$0x2E40] =	vst v63  }
0x69: {  	_ =	swait.ge [sflag:s8], $0x1400  }
0x6a: {  	[sflag:s8] =	ssyncset.done $0x0  }
0x6b: {  	s18 =	rddreg [dreg:$0xe];
	[sflag:s8] =	ssyncadd.s32 $0xFFFFEC00  }
0x6c: {  	[hbm4b:s18+s2] =	stream.linear.scatter [tilespmem:s7], [sflag:$0x2], $0x1400, $0x38;
	[tilespmem:$0x2E40] =	vst v63  }
0x6d: {  	_ =	swait.ge [sflag:s3], $0x1400  }
0x6e: {  	[sflag:s3] =	ssyncset.done $0x0  }
0x6f: {  	s18 =	simm.s32 $0x370;
	[sflag:s3] =	ssyncadd.s32 $0xFFFFEC00  }
0x70: {  	[tilespmem:s7], [sflag:$0x1] =	stream.indirect.gather [hbm4b:s4+s5], $0x40, s18, s5, $0xb8;
	[tilespmem:$0x2E40] =	vst v63  }
0x71: {  	_ =	swait.ge [sflag:s8], $0x1400  }
0x72: {  	[sflag:s8] =	ssyncset.done $0x0  }
0x73: {  	s19 =	rddreg [dreg:$0xf];
	[sflag:s8] =	ssyncadd.s32 $0xFFFFEC00  }
0x74: {  	[hbm4b:s19+s2] =	stream.linear.scatter [tilespmem:s6], [sflag:$0x2], $0x1400, $0x38;
	[tilespmem:$0x2E40] =	vst v63  }
0x75: {  	_ =	swait.ge [sflag:s3], $0x1400  }
0x76: {  	[sflag:s3] =	ssyncset.done $0x0  }
0x77: {  	s19 =	simm.s32 $0x3C0;
	[sflag:s3] =	ssyncadd.s32 $0xFFFFEC00  }
0x78: {  	[tilespmem:s6], [sflag:$0x1] =	stream.indirect.gather [hbm4b:s4+s5], $0x40, s19, s5, $0xb8;
	[tilespmem:$0x2E40] =	vst v63  }
0x79: {  	_ =	swait.ge [sflag:s8], $0x1400  }
0x7a: {  	[sflag:s8] =	ssyncset.done $0x0  }
0x7b: {  	s20 =	rddreg [dreg:$0x10];
	[sflag:s8] =	ssyncadd.s32 $0xFFFFEC00  }
0x7c: {  	[hbm4b:s20+s2] =	stream.linear.scatter [tilespmem:s7], [sflag:$0x2], $0x1400, $0x38;
	[tilespmem:$0x2E40] =	vst v63  }
0x7d: {  	_ =	swait.ge [sflag:s3], $0x1400  }
0x7e: {  	[sflag:s3] =	ssyncset.done $0x0  }
0x7f: {  	s20 =	simm.s32 $0x410;
	[sflag:s3] =	ssyncadd.s32 $0xFFFFEC00  }
0x80: {  	[tilespmem:s7], [sflag:$0x1] =	stream.indirect.gather [hbm4b:s4+s5], $0x40, s20, s5, $0xb8;
	[tilespmem:$0x2E40] =	vst v63  }
0x81: {  	_ =	swait.ge [sflag:s8], $0x1400  }
0x82: {  	[sflag:s8] =	ssyncset.done $0x0  }
0x83: {  	s21 =	rddreg [dreg:$0x11];
	[sflag:s8] =	ssyncadd.s32 $0xFFFFEC00  }
0x84: {  	[hbm4b:s21+s2] =	stream.linear.scatter [tilespmem:s6], [sflag:$0x2], $0x1400, $0x38;
	[tilespmem:$0x2E40] =	vst v63  }
0x85: {  	_ =	swait.ge [sflag:s3], $0x1400  }
0x86: {  	[sflag:s3] =	ssyncset.done $0x0  }
0x87: {  	s21 =	simm.s32 $0x460;
	[sflag:s3] =	ssyncadd.s32 $0xFFFFEC00  }
0x88: {  	[tilespmem:s6], [sflag:$0x1] =	stream.indirect.gather [hbm4b:s4+s5], $0x40, s21, s5, $0xb8;
	[tilespmem:$0x2E40] =	vst v63  }
0x89: {  	_ =	swait.ge [sflag:s8], $0x1400  }
0x8a: {  	[sflag:s8] =	ssyncset.done $0x0  }
0x8b: {  	s22 =	rddreg [dreg:$0x12];
	[sflag:s8] =	ssyncadd.s32 $0xFFFFEC00  }
0x8c: {  	[hbm4b:s22+s2] =	stream.linear.scatter [tilespmem:s7], [sflag:$0x2], $0x1400, $0x38;
	[tilespmem:$0x2E40] =	vst v63  }
0x8d: {  	_ =	swait.ge [sflag:s3], $0x1400  }
0x8e: {  	[sflag:s3] =	ssyncset.done $0x0  }
0x8f: {  	s22 =	simm.s32 $0x4B0;
	[sflag:s3] =	ssyncadd.s32 $0xFFFFEC00  }
0x90: {  	[tilespmem:s7], [sflag:$0x1] =	stream.indirect.gather [hbm4b:s4+s5], $0x40, s22, s5, $0xb8;
	[tilespmem:$0x2E40] =	vst v63  }
0x91: {  	_ =	swait.ge [sflag:s8], $0x1400  }
0x92: {  	[sflag:s8] =	ssyncset.done $0x0  }
0x93: {  	s23 =	rddreg [dreg:$0x13];
	[sflag:s8] =	ssyncadd.s32 $0xFFFFEC00  }
0x94: {  	[hbm4b:s23+s2] =	stream.linear.scatter [tilespmem:s6], [sflag:$0x2], $0x1400, $0x38;
	[tilespmem:$0x2E40] =	vst v63  }
0x95: {  	_ =	swait.ge [sflag:s3], $0x1400  }
0x96: {  	[sflag:s3] =	ssyncset.done $0x0  }
0x97: {  	s23 =	simm.s32 $0x500;
	[sflag:s3] =	ssyncadd.s32 $0xFFFFEC00  }
0x98: {  	[tilespmem:s6], [sflag:$0x1] =	stream.indirect.gather [hbm4b:s4+s5], $0x40, s23, s5, $0xb8;
	[tilespmem:$0x2E40] =	vst v63  }
0x99: {  	_ =	swait.ge [sflag:s8], $0x1400  }
0x9a: {  	[sflag:s8] =	ssyncset.done $0x0  }
0x9b: {  	s24 =	rddreg [dreg:$0x14];
	[sflag:s8] =	ssyncadd.s32 $0xFFFFEC00  }
0x9c: {  	[hbm4b:s24+s2] =	stream.linear.scatter [tilespmem:s7], [sflag:$0x2], $0x1400, $0x38;
	[tilespmem:$0x2E40] =	vst v63  }
0x9d: {  	_ =	swait.ge [sflag:s3], $0x1400  }
0x9e: {  	[sflag:s3] =	ssyncset.done $0x0  }
0x9f: {  	s24 =	simm.s32 $0x550;
	[sflag:s3] =	ssyncadd.s32 $0xFFFFEC00  }
0xa0: {  	[tilespmem:s7], [sflag:$0x1] =	stream.indirect.gather [hbm4b:s4+s5], $0x40, s24, s5, $0xb8;
	[tilespmem:$0x2E40] =	vst v63  }
0xa1: {  	_ =	swait.ge [sflag:s8], $0x1400  }
0xa2: {  	[sflag:s8] =	ssyncset.done $0x0  }
0xa3: {  	s25 =	sadd.s32 $0x2800, s31;
	[sflag:s8] =	ssyncadd.s32 $0xFFFFEC00  }
0xa4: {  	[hbm4b:s25+s2] =	stream.linear.scatter [tilespmem:s6], [sflag:$0x2], $0x1400, $0x38;
	[tilespmem:$0x2E40] =	vst v63  }
0xa5: {  	_ =	swait.ge [sflag:s3], $0x1400  }
0xa6: {  	[sflag:s3] =	ssyncset.done $0x0  }
0xa7: {  	s26 =	simm.s32 $0x5A0;
	[sflag:s3] =	ssyncadd.s32 $0xFFFFEC00  }
0xa8: {  	[tilespmem:s6], [sflag:$0x1] =	stream.indirect.gather [hbm4b:s4+s5], $0x40, s26, s5, $0xb8;
	[tilespmem:$0x2E40] =	vst v63  }
0xa9: {  	_ =	swait.ge [sflag:s8], $0x1400  }
0xaa: {  	[sflag:s8] =	ssyncset.done $0x0  }
0xab: {  	s28 =	sadd.s32 $0x2A80, s31;
	[sflag:s8] =	ssyncadd.s32 $0xFFFFEC00  }
0xac: {  	[hbm4b:s28+s2] =	stream.linear.scatter [tilespmem:s7], [sflag:$0x2], $0x1400, $0x38;
	[tilespmem:$0x2E40] =	vst v63  }
0xad: {  	_ =	swait.ge [sflag:s3], $0x1400  }
0xae: {  	[sflag:s3] =	ssyncset.done $0x0  }
0xaf: {  	s29 =	simm.s32 $0x5F0;
	[sflag:s3] =	ssyncadd.s32 $0xFFFFEC00  }
0xb0: {  	[tilespmem:s7], [sflag:$0x1] =	stream.indirect.gather [hbm4b:s4+s5], $0x40, s29, s5, $0xb8;
	[tilespmem:$0x2E40] =	vst v63  }
0xb1: {  	_ =	swait.ge [sflag:s8], $0x1400  }
0xb2: {  	s1 =	ssub.s32 $0x2, s1;
	[sflag:s8] =	ssyncset.done $0x0  }
0xb3: {  	s0 =	sshrl.u32 s1, $0x1;
	s30 =	sadd.s32 $0x2D00, s31;
	[sflag:s8] =	ssyncadd.s32 $0xFFFFEC00  }
0xb4: {  	[hbm4b:s30+s2] =	stream.linear.scatter [tilespmem:s6], [sflag:$0x2], $0x1400, $0x38;
	[tilespmem:$0x2E40] =	vst v63  }
0xb5: {  	s0 =	ssub.s32 s1, s0;
	_ =	swait.ge [sflag:s3], $0x1400  }
0xb6: {  	s0 =	smax.u32 s0, $0x1;
	[sflag:s3] =	ssyncset.done $0x0  }
0xb7: {  	p0 =	sne.s32 s0, $0x1;
	[sflag:s3] =	ssyncadd.s32 $0xFFFFEC00  }
.Ltmp0:
0xb8: {  	_ =	swait.ge [sflag:s8], $0x1400;
	(pc) =	sbr.rel @!p0 .LBB2_2-.Ltmp0, $4  }
0xb9: {  	[sflag:s8] =	ssyncset.done $0x0  }
0xba: {  	s31 =	sadd.s32 $0x2F80, s31;
	[sflag:s8] =	ssyncadd.s32 $0xFFFFEC00  }
0xbb: {  	[hbm4b:s31+s2] =	stream.linear.scatter [tilespmem:s7], [sflag:$0x2], $0x1400, $0x38;
	[tilespmem:$0x2E40] =	vst v63  }
0xbc: {  	s1 =	sadd.s32 $0xFFFFFFFF, s0;
	_ =	swait.ge [sflag:s3], $0x1400  }
.LBB2_1:
0xbd: {  	[sflag:s3] =	ssyncset.done $0x0  }
0xbe: {  	s0 =	rddreg [dreg:$0x4];
	[sflag:s3] =	ssyncadd.s32 $0xFFFFEC00  }
0xbf: {  	[tilespmem:s2], [sflag:$0x2] =	stream.linear.gather [hbm4b:s0+s2], $0x640, $0x38;
	[tilespmem:$0x2E40] =	vst v63  }
0xc0: {  	_ =	swait.ge [sflag:s3], $0x640  }
0xc1: {  	[sflag:s3] =	ssyncset.done $0x0  }
0xc2: {  	[sflag:s3] =	ssyncadd.s32 $0xFFFFF9C0  }
0xc3: {  	[tilespmem:s6], [sflag:$0x1] =	stream.indirect.gather [hbm4b:s4+s5], $0x40, s2, s5, $0xb8;
	[tilespmem:$0x2E40] =	vst v63  }
0xc4: {  	_ = 	snop  }
0xc5: {  	[tilespmem:s7], [sflag:$0x1] =	stream.indirect.gather [hbm4b:s4+s5], $0x40, s5, s5, $0xb8;
	[tilespmem:$0x2E40] =	vst v63  }
0xc6: {  	_ =	swait.ge [sflag:s8], $0x1400  }
0xc7: {  	[sflag:s8] =	ssyncset.done $0x0  }
0xc8: {  	s0 =	rddreg [dreg:$0x5];
	[sflag:s8] =	ssyncadd.s32 $0xFFFFEC00  }
0xc9: {  	[hbm4b:s0+s2] =	stream.linear.scatter [tilespmem:s6], [sflag:$0x2], $0x1400, $0x38;
	[tilespmem:$0x2E40] =	vst v63  }
0xca: {  	_ =	swait.ge [sflag:s3], $0x1400  }
0xcb: {  	[sflag:s3] =	ssyncset.done $0x0  }
0xcc: {  	[sflag:s3] =	ssyncadd.s32 $0xFFFFEC00  }
0xcd: {  	[tilespmem:s6], [sflag:$0x1] =	stream.indirect.gather [hbm4b:s4+s5], $0x40, s9, s5, $0xb8;
	[tilespmem:$0x2E40] =	vst v63  }
0xce: {  	_ =	swait.ge [sflag:s8], $0x1400  }
0xcf: {  	[sflag:s8] =	ssyncset.done $0x0  }
0xd0: {  	s0 =	rddreg [dreg:$0x6];
	[sflag:s8] =	ssyncadd.s32 $0xFFFFEC00  }
0xd1: {  	[hbm4b:s0+s2] =	stream.linear.scatter [tilespmem:s7], [sflag:$0x2], $0x1400, $0x38;
	[tilespmem:$0x2E40] =	vst v63  }
0xd2: {  	_ =	swait.ge [sflag:s3], $0x1400  }
0xd3: {  	[sflag:s3] =	ssyncset.done $0x0  }
0xd4: {  	[sflag:s3] =	ssyncadd.s32 $0xFFFFEC00  }
0xd5: {  	[tilespmem:s7], [sflag:$0x1] =	stream.indirect.gather [hbm4b:s4+s5], $0x40, s10, s5, $0xb8;
	[tilespmem:$0x2E40] =	vst v63  }
0xd6: {  	_ =	swait.ge [sflag:s8], $0x1400  }
0xd7: {  	[sflag:s8] =	ssyncset.done $0x0  }
0xd8: {  	s0 =	rddreg [dreg:$0x7];
	[sflag:s8] =	ssyncadd.s32 $0xFFFFEC00  }
0xd9: {  	[hbm4b:s0+s2] =	stream.linear.scatter [tilespmem:s6], [sflag:$0x2], $0x1400, $0x38;
	[tilespmem:$0x2E40] =	vst v63  }
0xda: {  	_ =	swait.ge [sflag:s3], $0x1400  }
0xdb: {  	[sflag:s3] =	ssyncset.done $0x0  }
0xdc: {  	[sflag:s3] =	ssyncadd.s32 $0xFFFFEC00  }
0xdd: {  	[tilespmem:s6], [sflag:$0x1] =	stream.indirect.gather [hbm4b:s4+s5], $0x40, s11, s5, $0xb8;
	[tilespmem:$0x2E40] =	vst v63  }
0xde: {  	_ =	swait.ge [sflag:s8], $0x1400  }
0xdf: {  	[sflag:s8] =	ssyncset.done $0x0  }
0xe0: {  	s0 =	rddreg [dreg:$0x8];
	[sflag:s8] =	ssyncadd.s32 $0xFFFFEC00  }
0xe1: {  	[hbm4b:s0+s2] =	stream.linear.scatter [tilespmem:s7], [sflag:$0x2], $0x1400, $0x38;
	[tilespmem:$0x2E40] =	vst v63  }
0xe2: {  	_ =	swait.ge [sflag:s3], $0x1400  }
0xe3: {  	[sflag:s3] =	ssyncset.done $0x0  }
0xe4: {  	[sflag:s3] =	ssyncadd.s32 $0xFFFFEC00  }
0xe5: {  	[tilespmem:s7], [sflag:$0x1] =	stream.indirect.gather [hbm4b:s4+s5], $0x40, s12, s5, $0xb8;
	[tilespmem:$0x2E40] =	vst v63  }
0xe6: {  	_ =	swait.ge [sflag:s8], $0x1400  }
0xe7: {  	[sflag:s8] =	ssyncset.done $0x0  }
0xe8: {  	s0 =	rddreg [dreg:$0x9];
	[sflag:s8] =	ssyncadd.s32 $0xFFFFEC00  }
0xe9: {  	[hbm4b:s0+s2] =	stream.linear.scatter [tilespmem:s6], [sflag:$0x2], $0x1400, $0x38;
	[tilespmem:$0x2E40] =	vst v63  }
0xea: {  	_ =	swait.ge [sflag:s3], $0x1400  }
0xeb: {  	[sflag:s3] =	ssyncset.done $0x0  }
0xec: {  	[sflag:s3] =	ssyncadd.s32 $0xFFFFEC00  }
0xed: {  	[tilespmem:s6], [sflag:$0x1] =	stream.indirect.gather [hbm4b:s4+s5], $0x40, s13, s5, $0xb8;
	[tilespmem:$0x2E40] =	vst v63  }
0xee: {  	_ =	swait.ge [sflag:s8], $0x1400  }
0xef: {  	[sflag:s8] =	ssyncset.done $0x0  }
0xf0: {  	s0 =	rddreg [dreg:$0xa];
	[sflag:s8] =	ssyncadd.s32 $0xFFFFEC00  }
0xf1: {  	[hbm4b:s0+s2] =	stream.linear.scatter [tilespmem:s7], [sflag:$0x2], $0x1400, $0x38;
	[tilespmem:$0x2E40] =	vst v63  }
0xf2: {  	_ =	swait.ge [sflag:s3], $0x1400  }
0xf3: {  	[sflag:s3] =	ssyncset.done $0x0  }
0xf4: {  	[sflag:s3] =	ssyncadd.s32 $0xFFFFEC00  }
0xf5: {  	[tilespmem:s7], [sflag:$0x1] =	stream.indirect.gather [hbm4b:s4+s5], $0x40, s14, s5, $0xb8;
	[tilespmem:$0x2E40] =	vst v63  }
0xf6: {  	_ =	swait.ge [sflag:s8], $0x1400  }
0xf7: {  	[sflag:s8] =	ssyncset.done $0x0  }
0xf8: {  	s0 =	rddreg [dreg:$0xb];
	[sflag:s8] =	ssyncadd.s32 $0xFFFFEC00  }
0xf9: {  	[hbm4b:s0+s2] =	stream.linear.scatter [tilespmem:s6], [sflag:$0x2], $0x1400, $0x38;
	[tilespmem:$0x2E40] =	vst v63  }
0xfa: {  	_ =	swait.ge [sflag:s3], $0x1400  }
0xfb: {  	[sflag:s3] =	ssyncset.done $0x0  }
0xfc: {  	[sflag:s3] =	ssyncadd.s32 $0xFFFFEC00  }
0xfd: {  	[tilespmem:s6], [sflag:$0x1] =	stream.indirect.gather [hbm4b:s4+s5], $0x40, s15, s5, $0xb8;
	[tilespmem:$0x2E40] =	vst v63  }
0xfe: {  	_ =	swait.ge [sflag:s8], $0x1400  }
0xff: {  	[sflag:s8] =	ssyncset.done $0x0  }
0x100: {  	s0 =	rddreg [dreg:$0xc];
	[sflag:s8] =	ssyncadd.s32 $0xFFFFEC00  }
0x101: {  	[hbm4b:s0+s2] =	stream.linear.scatter [tilespmem:s7], [sflag:$0x2], $0x1400, $0x38;
	[tilespmem:$0x2E40] =	vst v63  }
0x102: {  	_ =	swait.ge [sflag:s3], $0x1400  }
0x103: {  	[sflag:s3] =	ssyncset.done $0x0  }
0x104: {  	[sflag:s3] =	ssyncadd.s32 $0xFFFFEC00  }
0x105: {  	[tilespmem:s7], [sflag:$0x1] =	stream.indirect.gather [hbm4b:s4+s5], $0x40, s16, s5, $0xb8;
	[tilespmem:$0x2E40] =	vst v63  }
0x106: {  	_ =	swait.ge [sflag:s8], $0x1400  }
0x107: {  	[sflag:s8] =	ssyncset.done $0x0  }
0x108: {  	s0 =	rddreg [dreg:$0xd];
	[sflag:s8] =	ssyncadd.s32 $0xFFFFEC00  }
0x109: {  	[hbm4b:s0+s2] =	stream.linear.scatter [tilespmem:s6], [sflag:$0x2], $0x1400, $0x38;
	[tilespmem:$0x2E40] =	vst v63  }
0x10a: {  	_ =	swait.ge [sflag:s3], $0x1400  }
0x10b: {  	[sflag:s3] =	ssyncset.done $0x0  }
0x10c: {  	[sflag:s3] =	ssyncadd.s32 $0xFFFFEC00  }
0x10d: {  	[tilespmem:s6], [sflag:$0x1] =	stream.indirect.gather [hbm4b:s4+s5], $0x40, s17, s5, $0xb8;
	[tilespmem:$0x2E40] =	vst v63  }
0x10e: {  	_ =	swait.ge [sflag:s8], $0x1400  }
0x10f: {  	[sflag:s8] =	ssyncset.done $0x0  }
0x110: {  	s0 =	rddreg [dreg:$0xe];
	[sflag:s8] =	ssyncadd.s32 $0xFFFFEC00  }
0x111: {  	[hbm4b:s0+s2] =	stream.linear.scatter [tilespmem:s7], [sflag:$0x2], $0x1400, $0x38;
	[tilespmem:$0x2E40] =	vst v63  }
0x112: {  	_ =	swait.ge [sflag:s3], $0x1400  }
0x113: {  	[sflag:s3] =	ssyncset.done $0x0  }
0x114: {  	[sflag:s3] =	ssyncadd.s32 $0xFFFFEC00  }
0x115: {  	[tilespmem:s7], [sflag:$0x1] =	stream.indirect.gather [hbm4b:s4+s5], $0x40, s18, s5, $0xb8;
	[tilespmem:$0x2E40] =	vst v63  }
0x116: {  	_ =	swait.ge [sflag:s8], $0x1400  }
0x117: {  	[sflag:s8] =	ssyncset.done $0x0  }
0x118: {  	s0 =	rddreg [dreg:$0xf];
	[sflag:s8] =	ssyncadd.s32 $0xFFFFEC00  }
0x119: {  	[hbm4b:s0+s2] =	stream.linear.scatter [tilespmem:s6], [sflag:$0x2], $0x1400, $0x38;
	[tilespmem:$0x2E40] =	vst v63  }
0x11a: {  	_ =	swait.ge [sflag:s3], $0x1400  }
0x11b: {  	[sflag:s3] =	ssyncset.done $0x0  }
0x11c: {  	[sflag:s3] =	ssyncadd.s32 $0xFFFFEC00  }
0x11d: {  	[tilespmem:s6], [sflag:$0x1] =	stream.indirect.gather [hbm4b:s4+s5], $0x40, s19, s5, $0xb8;
	[tilespmem:$0x2E40] =	vst v63  }
0x11e: {  	_ =	swait.ge [sflag:s8], $0x1400  }
0x11f: {  	[sflag:s8] =	ssyncset.done $0x0  }
0x120: {  	s0 =	rddreg [dreg:$0x10];
	[sflag:s8] =	ssyncadd.s32 $0xFFFFEC00  }
0x121: {  	[hbm4b:s0+s2] =	stream.linear.scatter [tilespmem:s7], [sflag:$0x2], $0x1400, $0x38;
	[tilespmem:$0x2E40] =	vst v63  }
0x122: {  	_ =	swait.ge [sflag:s3], $0x1400  }
0x123: {  	[sflag:s3] =	ssyncset.done $0x0  }
0x124: {  	[sflag:s3] =	ssyncadd.s32 $0xFFFFEC00  }
0x125: {  	[tilespmem:s7], [sflag:$0x1] =	stream.indirect.gather [hbm4b:s4+s5], $0x40, s20, s5, $0xb8;
	[tilespmem:$0x2E40] =	vst v63  }
0x126: {  	_ =	swait.ge [sflag:s8], $0x1400  }
0x127: {  	[sflag:s8] =	ssyncset.done $0x0  }
0x128: {  	s0 =	rddreg [dreg:$0x11];
	[sflag:s8] =	ssyncadd.s32 $0xFFFFEC00  }
0x129: {  	[hbm4b:s0+s2] =	stream.linear.scatter [tilespmem:s6], [sflag:$0x2], $0x1400, $0x38;
	[tilespmem:$0x2E40] =	vst v63  }
0x12a: {  	_ =	swait.ge [sflag:s3], $0x1400  }
0x12b: {  	[sflag:s3] =	ssyncset.done $0x0  }
0x12c: {  	[sflag:s3] =	ssyncadd.s32 $0xFFFFEC00  }
0x12d: {  	[tilespmem:s6], [sflag:$0x1] =	stream.indirect.gather [hbm4b:s4+s5], $0x40, s21, s5, $0xb8;
	[tilespmem:$0x2E40] =	vst v63  }
0x12e: {  	_ =	swait.ge [sflag:s8], $0x1400  }
0x12f: {  	[sflag:s8] =	ssyncset.done $0x0  }
0x130: {  	s0 =	rddreg [dreg:$0x12];
	[sflag:s8] =	ssyncadd.s32 $0xFFFFEC00  }
0x131: {  	[hbm4b:s0+s2] =	stream.linear.scatter [tilespmem:s7], [sflag:$0x2], $0x1400, $0x38;
	[tilespmem:$0x2E40] =	vst v63  }
0x132: {  	_ =	swait.ge [sflag:s3], $0x1400  }
0x133: {  	[sflag:s3] =	ssyncset.done $0x0  }
0x134: {  	[sflag:s3] =	ssyncadd.s32 $0xFFFFEC00  }
0x135: {  	[tilespmem:s7], [sflag:$0x1] =	stream.indirect.gather [hbm4b:s4+s5], $0x40, s22, s5, $0xb8;
	[tilespmem:$0x2E40] =	vst v63  }
0x136: {  	_ =	swait.ge [sflag:s8], $0x1400  }
0x137: {  	[sflag:s8] =	ssyncset.done $0x0  }
0x138: {  	s0 =	rddreg [dreg:$0x13];
	[sflag:s8] =	ssyncadd.s32 $0xFFFFEC00  }
0x139: {  	[hbm4b:s0+s2] =	stream.linear.scatter [tilespmem:s6], [sflag:$0x2], $0x1400, $0x38;
	[tilespmem:$0x2E40] =	vst v63  }
0x13a: {  	_ =	swait.ge [sflag:s3], $0x1400  }
0x13b: {  	[sflag:s3] =	ssyncset.done $0x0  }
0x13c: {  	[sflag:s3] =	ssyncadd.s32 $0xFFFFEC00  }
0x13d: {  	[tilespmem:s6], [sflag:$0x1] =	stream.indirect.gather [hbm4b:s4+s5], $0x40, s23, s5, $0xb8;
	[tilespmem:$0x2E40] =	vst v63  }
0x13e: {  	_ =	swait.ge [sflag:s8], $0x1400  }
0x13f: {  	[sflag:s8] =	ssyncset.done $0x0  }
0x140: {  	s0 =	rddreg [dreg:$0x14];
	[sflag:s8] =	ssyncadd.s32 $0xFFFFEC00  }
0x141: {  	[hbm4b:s0+s2] =	stream.linear.scatter [tilespmem:s7], [sflag:$0x2], $0x1400, $0x38;
	[tilespmem:$0x2E40] =	vst v63  }
0x142: {  	_ =	swait.ge [sflag:s3], $0x1400  }
0x143: {  	[sflag:s3] =	ssyncset.done $0x0  }
0x144: {  	[sflag:s3] =	ssyncadd.s32 $0xFFFFEC00  }
0x145: {  	[tilespmem:s7], [sflag:$0x1] =	stream.indirect.gather [hbm4b:s4+s5], $0x40, s24, s5, $0xb8;
	[tilespmem:$0x2E40] =	vst v63  }
0x146: {  	_ =	swait.ge [sflag:s8], $0x1400  }
0x147: {  	[sflag:s8] =	ssyncset.done $0x0  }
0x148: {  	[sflag:s8] =	ssyncadd.s32 $0xFFFFEC00  }
0x149: {  	[hbm4b:s25+s2] =	stream.linear.scatter [tilespmem:s6], [sflag:$0x2], $0x1400, $0x38;
	[tilespmem:$0x2E40] =	vst v63  }
0x14a: {  	_ =	swait.ge [sflag:s3], $0x1400  }
0x14b: {  	[sflag:s3] =	ssyncset.done $0x0  }
0x14c: {  	[sflag:s3] =	ssyncadd.s32 $0xFFFFEC00  }
0x14d: {  	[tilespmem:s6], [sflag:$0x1] =	stream.indirect.gather [hbm4b:s4+s5], $0x40, s26, s5, $0xb8;
	[tilespmem:$0x2E40] =	vst v63  }
0x14e: {  	_ =	swait.ge [sflag:s8], $0x1400  }
0x14f: {  	[sflag:s8] =	ssyncset.done $0x0  }
0x150: {  	[sflag:s8] =	ssyncadd.s32 $0xFFFFEC00  }
0x151: {  	[hbm4b:s28+s2] =	stream.linear.scatter [tilespmem:s7], [sflag:$0x2], $0x1400, $0x38;
	[tilespmem:$0x2E40] =	vst v63  }
0x152: {  	_ =	swait.ge [sflag:s3], $0x1400  }
0x153: {  	[sflag:s3] =	ssyncset.done $0x0  }
0x154: {  	[sflag:s3] =	ssyncadd.s32 $0xFFFFEC00  }
0x155: {  	[tilespmem:s7], [sflag:$0x1] =	stream.indirect.gather [hbm4b:s4+s5], $0x40, s29, s5, $0xb8;
	[tilespmem:$0x2E40] =	vst v63  }
0x156: {  	_ =	swait.ge [sflag:s8], $0x1400  }
0x157: {  	[sflag:s8] =	ssyncset.done $0x0  }
0x158: {  	[sflag:s8] =	ssyncadd.s32 $0xFFFFEC00  }
0x159: {  	[hbm4b:s30+s2] =	stream.linear.scatter [tilespmem:s6], [sflag:$0x2], $0x1400, $0x38;
	[tilespmem:$0x2E40] =	vst v63  }
0x15a: {  	_ =	swait.ge [sflag:s3], $0x1400  }
0x15b: {  	[sflag:s3] =	ssyncset.done $0x0  }
0x15c: {  	p0 =	sne.s32 s1, $0x1;
	[sflag:s3] =	ssyncadd.s32 $0xFFFFEC00  }
.Ltmp1:
0x15d: {  	_ =	swait.ge [sflag:s8], $0x1400;
	(pc) =	sbr.rel @p0 .LBB2_1-.Ltmp1, $4  }
0x15e: {  	[sflag:s8] =	ssyncset.done $0x0  }
0x15f: {  	[sflag:s8] =	ssyncadd.s32 $0xFFFFEC00  }
0x160: {  	[hbm4b:s31+s2] =	stream.linear.scatter [tilespmem:s7], [sflag:$0x2], $0x1400, $0x38;
	[tilespmem:$0x2E40] =	vst v63  }
0x161: {  	s1 =	sadd.s32 $0xFFFFFFFF, s1;
	_ =	swait.ge [sflag:s3], $0x1400  }
.LBB2_2:
0x162: {  	[sflag:s3] =	ssyncset.done $0x0  }
0x163: {  	[sflag:s3] =	ssyncadd.s32 $0xFFFFEC00  }
0x164: {  	_ =	sfence.sel $0x180000  }
0x165: {  	[bflag:$0x0] =	sbarrier.arrive $0xFFFF  }
0x166: {  	_ =	strace $0x90000047  }
0x167: {  	s0 =	stileid.u32;
	[bflag:$0x2] =	sbarrier.arrive $0xFFFF  }
0x168: {  	p0 =	sne.s32 s0, $0x0;
	s0 =	rddreg [dreg:$0x3]  }
0x169: {  	s0 =	sadd.s32 @!p0 $0x100000, s0  }
0x16a: {  	[sflag:s0] =	ssyncadd.tile.s32 @!p0 $0x1;
	_ =	shalt  }
.Lfunc_end2:
_tile_overlayer_lowered:
.L_overlay_start_2:
0x16b: {  	(tag) =	ssettag $0x2  }
0x16c: {  	s0 =	rddreg [dreg:$0x0];
	s2 =	stileid.u32  }
0x16d: {  	s1 =	rddreg [dreg:$0x1];
	p0 =	sne.s32 s2, $0x0  }
0x16e: {  	s3 =	rddreg [dreg:$0x2];
	[bflag:$0x3] =	sbarrier.arrive $0xFFFF;
	s2 =	simm.s32 @!p0 $0x1C02  }
0x16f: {  	[timem:s3], [sflag:s2] =	dma.local @!p0 [hbm:s0], s1  }
0x170: {  	s0 =	simm.s32 @!p0 $0x2  }
0x171: {  	_ =	swait.ge @!p0 [sflag:s0], s1  }
0x172: {  	s1 =	ssub.s32 @!p0 $0x0, s1;
	[sflag:s0] =	ssyncset.done @!p0 $0x0  }
0x173: {  	[sflag:s0] =	ssyncadd.s32 @!p0 s1  }
0x174: {  	[bflag:$0x3] =	sbarrier.arrive $0xFFFF  }
0x175: {  	_ =	shalt  }

</sc_bundles>
